<compile_context>
chip_gen: v7x
topology: tpu7x:2x2x1
jax: 0.10.2.dev20260603
libtpu: 0.0.44.dev20260713+nightly
codegen_flags: <defaults>
</compile_context>

<pallas_src>
import functools

import jax
import jax.numpy as jnp
from jax import lax
from jax.experimental import pallas as pl
from jax.experimental.pallas import tpu as pltpu
from jax.experimental.pallas import tpu_sc as plsc

N_NODES = 10000
N_EDGES = 320000
D = 128

NC = 2
NS = 16
NW = NC * NS
CHUNK = 100
N_CHUNKS = 100
EPW = N_CHUNKS * CHUNK
N_PAD = 10240
ZCHUNK = 80
ROWS_PER_TILE = N_PAD // NS
PAD_DST = N_NODES

_mesh = plsc.VectorSubcoreMesh(core_axis_name="c", subcore_axis_name="s")


@functools.partial(
    pl.kernel,
    out_type=jax.ShapeDtypeStruct((NC, N_PAD, D), jnp.float32),
    mesh=_mesh,
    scratch_types=[
        pltpu.VMEM((N_CHUNKS, CHUNK), jnp.int32),
        pltpu.VMEM((N_CHUNKS, CHUNK), jnp.int32),
        pltpu.VMEM((CHUNK, D), jnp.float32),
        pltpu.SemaphoreType.DMA,
        pltpu.VMEM_SHARED((N_PAD, D), jnp.float32),
    ],
)
def _sc_aggregate(x_hbm, src_hbm, dst_hbm, out_hbm, src_v, dst_v, rows_v, sem, acc):
    cid = lax.axis_index("c")
    sid = lax.axis_index("s")
    wid = cid * NS + sid

    zeros16 = jnp.zeros((16,), jnp.float32)

    def zero_body(i, _):
        rows_v[i // (D // 16), pl.ds((i % (D // 16)) * 16, 16)] = zeros16
        return 0

    lax.fori_loop(0, ZCHUNK * (D // 16), zero_body, 0)

    r0 = sid * ROWS_PER_TILE
    for t in range(ROWS_PER_TILE // ZCHUNK):
        pltpu.sync_copy(rows_v.at[pl.ds(0, ZCHUNK)],
                        acc.at[pl.ds(r0 + t * ZCHUNK, ZCHUNK)])

    plsc.subcore_barrier()

    pltpu.sync_copy(src_hbm.at[wid], src_v)
    pltpu.sync_copy(dst_hbm.at[wid], dst_v)

    def chunk_body(j, _):
        pltpu.async_copy(x_hbm.at[src_v.at[j]], rows_v, sem).wait()
        pltpu.sync_copy(rows_v, acc.at[dst_v.at[j]], add=True)
        return 0

    lax.fori_loop(0, N_CHUNKS, chunk_body, 0)

    plsc.subcore_barrier()

    pltpu.sync_copy(acc.at[pl.ds(r0, ROWS_PER_TILE)],
                    out_hbm.at[cid, pl.ds(r0, ROWS_PER_TILE)])


BR = 1000


def _base_body(x_ref, w1t_ref, b1_ref, w2t_ref, b2_ref, base_ref, wf_ref):
    wf = jnp.dot(w1t_ref[...], w2t_ref[...], preferred_element_type=jnp.float32)
    wf_ref[...] = wf
    bias = jnp.dot(b1_ref[...], w2t_ref[...],
                   preferred_element_type=jnp.float32) + b2_ref[...]
    base_ref[...] = jnp.dot(x_ref[...], wf,
                            preferred_element_type=jnp.float32) + bias


_base_call = pl.pallas_call(
    _base_body,
    out_shape=(
        jax.ShapeDtypeStruct((N_NODES, D), jnp.float32),
        jax.ShapeDtypeStruct((D, D), jnp.float32),
    ),
    grid=(N_NODES // BR,),
    in_specs=[
        pl.BlockSpec((BR, D), lambda i: (i, 0)),
        pl.BlockSpec((D, D), lambda i: (0, 0)),
        pl.BlockSpec((1, D), lambda i: (0, 0)),
        pl.BlockSpec((D, D), lambda i: (0, 0)),
        pl.BlockSpec((1, D), lambda i: (0, 0)),
    ],
    out_specs=(
        pl.BlockSpec((BR, D), lambda i: (i, 0)),
        pl.BlockSpec((D, D), lambda i: (0, 0)),
    ),
)


def _final_body(p_ref, wf_ref, base_ref, o_ref):
    agg = p_ref[0] + p_ref[1]
    o_ref[...] = jnp.dot(agg, wf_ref[...],
                         preferred_element_type=jnp.float32) + base_ref[...]


_final_call = pl.pallas_call(
    _final_body,
    out_shape=jax.ShapeDtypeStruct((N_NODES, D), jnp.float32),
    grid=(N_NODES // BR,),
    in_specs=[
        pl.BlockSpec((NC, BR, D), lambda i: (0, i, 0)),
        pl.BlockSpec((D, D), lambda i: (0, 0)),
        pl.BlockSpec((BR, D), lambda i: (i, 0)),
    ],
    out_specs=pl.BlockSpec((BR, D), lambda i: (i, 0)),
)


def kernel(x, edge_index, W1, b1, W2, b2):
    ei = edge_index.astype(jnp.int32)
    per_w = N_EDGES // NW
    dst = ei[0].reshape(NW, per_w)
    src = ei[1].reshape(NW, per_w)
    pad_rows = PAD_DST + jnp.arange(NW, dtype=jnp.int32)[:, None]
    dst = jnp.concatenate(
        [dst, jnp.broadcast_to(pad_rows, (NW, EPW - per_w))], axis=1)
    src = jnp.pad(src, ((0, 0), (0, EPW - per_w)), constant_values=0)
    dst = dst.reshape(NW, N_CHUNKS, CHUNK)
    src = src.reshape(NW, N_CHUNKS, CHUNK)
    partials = _sc_aggregate(x, src, dst)
    base, wf = _base_call(x, W1.T, b1.reshape(1, D), W2.T, b2.reshape(1, D))
    return _final_call(partials, wf, base)

# --- scband reference (transcript-rebuilt; emitter-appended) ---
"""Pipeline reference for scband-ginlayer-14594298871931 (READ-ONLY COPY).

The authoritative reference and input builder live on the scoring server;
editing this copy changes nothing except your own understanding.
"""

import jax, jax.numpy as jnp
import numpy as np

N_NODES = 10000
N_EDGES = 320000
D_IN = 128
D_HID = 128
D_OUT = 128
EPS = 0.0


def setup_inputs(seed: int = 0) -> dict:
    key = jax.random.key(seed)
    k_x, k_ei, k_w1, k_b1, k_w2, k_b2 = jax.random.split(key, 6)
    x = jax.random.normal(k_x, (N_NODES, D_IN), dtype=jnp.float32)
    edge_index = jax.random.randint(k_ei, (2, N_EDGES), 0, N_NODES, dtype=jnp.int64)
    bound1 = 1.0 / np.sqrt(D_IN)
    W1 = jax.random.uniform(k_w1, (D_HID, D_IN), dtype=jnp.float32, minval=-bound1, maxval=bound1)
    b1 = jax.random.uniform(k_b1, (D_HID,), dtype=jnp.float32, minval=-bound1, maxval=bound1)
    bound2 = 1.0 / np.sqrt(D_HID)
    W2 = jax.random.uniform(k_w2, (D_OUT, D_HID), dtype=jnp.float32, minval=-bound2, maxval=bound2)
    b2 = jax.random.uniform(k_b2, (D_OUT,), dtype=jnp.float32, minval=-bound2, maxval=bound2)
    return {"x": x, "edge_index": edge_index, "W1": W1, "b1": b1, "W2": W2, "b2": b2}


def reference(x, edge_index, W1, b1, W2, b2):
    # adj_sparse @ x : for each dst node i, sum x[src] over incoming edges (i <- src)
    dst = edge_index[0]
    src = edge_index[1]
    gathered = jnp.take(x, src, axis=0)                      # gather: [E, D_IN]
    agg = jax.ops.segment_sum(gathered, dst, num_segments=N_NODES)  # scatter-add
    h = agg + (1.0 + EPS) * x
    h = h @ W1.T + b1
    out = h @ W2.T + b2
    return out

if __name__ == "__main__":
    import jax
    _d = setup_inputs()
    print(jax.jit(kernel)(*tuple(_d.values())))

</pallas_src>

<mosaic_0001>
#map = affine_map<(d0, d1) -> (0, 0)>
#map1 = affine_map<(d0, d1) -> (0, 0, 0)>
module attributes {stable_mosaic.version = 14 : i64} {
  func.func @_sc_aggregate(%arg0: i32, %arg1: i32, %arg2: memref<10000x128xf32, #tpu.memory_space<hbm>>, %arg3: memref<32x100x100xi32, #tpu.memory_space<hbm>>, %arg4: memref<32x100x100xi32, #tpu.memory_space<hbm>>, %arg5: memref<2x10240x128xf32, #tpu.memory_space<hbm>>, %arg6: memref<100x100xi32, #tpu.memory_space<vmem>>, %arg7: memref<100x100xi32, #tpu.memory_space<vmem>>, %arg8: memref<100x128xf32, #tpu.memory_space<vmem>>, %arg9: memref<!tpu.dma_semaphore, #tpu.memory_space<semaphore_mem>>, %arg10: memref<10240x128xf32, #tpu.memory_space<vmem_shared>>) attributes {dimension_semantics = [#tpu.dimension_semantics<core_parallel>, #tpu.dimension_semantics<subcore_parallel>], iteration_bounds = array<i64: 2, 16>, scalar_prefetch = 0 : i64, scratch_operands = 5 : i64, tpu.core_type = #tpu.core_type<sc_vector_subcore>, window_params = [{transform_indices = #map}, {transform_indices = #map1}, {transform_indices = #map1}, {transform_indices = #map1}]} {
    %mul3A = arith.constant 16 : i32
    %mul3A_0 = arith.muli %arg0, %mul3A : i32
    %add3A = arith.addi %mul3A_0, %arg1 : i32
    %broadcast_in_dim3A = arith.constant 0.000000e+00 : f32
    %broadcast_in_dim3A_1 = vector.broadcast %broadcast_in_dim3A : f32 to vector<16xf32>
    %scan3A = arith.constant 0 : i32
    %scan3A_2 = arith.constant 0 : i32
    %scan3A_3 = arith.constant 640 : i32
    %scan3A_4 = arith.addi %scan3A_2, %scan3A_3 : i32
    %scan3A_5 = arith.constant 1 : i32
    %scan3A_6 = scf.for %scan3A_34 = %scan3A_2 to %scan3A_4 step %scan3A_5 iter_args(%scan3A_35 = %scan3A) -> (i32)  : i32 {
      %jit3A = arith.constant 8 : i32
      %div3A = arith.divsi %scan3A_34, %jit3A : i32
      %sign3A = arith.constant 0 : i32
      %sign3A_36 = arith.cmpi sgt, %scan3A_34, %sign3A : i32
      %sign3A_37 = arith.extui %sign3A_36 : i1 to i32
      %sign3A_38 = arith.constant 0 : i32
      %sign3A_39 = arith.cmpi slt, %scan3A_34, %sign3A_38 : i32
      %sign3A_40 = arith.extui %sign3A_39 : i1 to i32
      %sign3A_41 = arith.subi %sign3A_37, %sign3A_40 : i32
      %sign3A_42 = arith.constant 0 : i32
      %sign3A_43 = arith.cmpi sgt, %jit3A, %sign3A_42 : i32
      %sign3A_44 = arith.extui %sign3A_43 : i1 to i32
      %sign3A_45 = arith.constant 0 : i32
      %sign3A_46 = arith.cmpi slt, %jit3A, %sign3A_45 : i32
      %sign3A_47 = arith.extui %sign3A_46 : i1 to i32
      %sign3A_48 = arith.subi %sign3A_44, %sign3A_47 : i32
      %ne3A = arith.cmpi ne, %sign3A_41, %sign3A_48 : i32
      %rem3A = arith.remsi %scan3A_34, %jit3A : i32
      %ne3A_49 = arith.constant 0 : i32
      %ne3A_50 = arith.cmpi ne, %rem3A, %ne3A_49 : i32
      %and3A = arith.andi %ne3A, %ne3A_50 : i1
      %sub3A = arith.constant 1 : i32
      %sub3A_51 = arith.subi %div3A, %sub3A : i32
      %select_n3A = arith.select %and3A, %sub3A_51, %div3A : i32
      %jit3A_52 = arith.constant 8 : i32
      %eq3A = arith.constant 0 : i32
      %eq3A_53 = arith.cmpi eq, %jit3A_52, %eq3A : i32
      %jit3A_54 = arith.constant 1 : i32
      %select_n3A_55 = arith.select %eq3A_53, %jit3A_54, %jit3A_52 : i32
      %rem3A_56 = arith.remsi %scan3A_34, %select_n3A_55 : i32
      %ne3A_57 = arith.constant 0 : i32
      %ne3A_58 = arith.cmpi ne, %rem3A_56, %ne3A_57 : i32
      %lt3A = arith.constant 0 : i32
      %lt3A_59 = arith.cmpi slt, %rem3A_56, %lt3A : i32
      %lt3A_60 = arith.constant 0 : i32
      %lt3A_61 = arith.cmpi slt, %select_n3A_55, %lt3A_60 : i32
      %ne3A_62 = arith.xori %lt3A_59, %lt3A_61 : i1
      %and3A_63 = arith.andi %ne3A_62, %ne3A_58 : i1
      %add3A_64 = arith.addi %rem3A_56, %select_n3A_55 : i32
      %select_n3A_65 = arith.select %and3A_63, %add3A_64, %rem3A_56 : i32
      %mul3A_66 = arith.constant 16 : i32
      %mul3A_67 = arith.muli %select_n3A_65, %mul3A_66 : i32
      %swap3A = arith.index_cast %select_n3A : i32 to index
      %swap3A_68 = arith.index_cast %mul3A_67 : i32 to index
      %swap3A_69 = tpu.vector_load %arg8[%swap3A, %swap3A_68] {strides = array<i32>} : memref<100x128xf32, #tpu.memory_space<vmem>>, vector<1x16xf32>,
      %swap3A_70 = vector.shape_cast %swap3A_69 : vector<1x16xf32> to vector<16xf32>
      %swap3A_71 = vector.shape_cast %broadcast_in_dim3A_1 : vector<16xf32> to vector<1x16xf32>
      tpu.vector_store %arg8[%swap3A, %swap3A_68], %swap3A_71 {strides = array<i32>} : memref<100x128xf32, #tpu.memory_space<vmem>>, vector<1x16xf32>,
      %scan3A_72 = arith.constant 0 : i32
      scf.yield %scan3A_72 : i32
    }
    %scan3A_7 = arith.constant 640 : i32
    %mul3A_8 = arith.constant 640 : i32
    %mul3A_9 = arith.muli %arg1, %mul3A_8 : i32
    %add3A_10 = arith.constant 0 : i32
    %add3A_11 = arith.addi %mul3A_9, %add3A_10 : i32
    "tpu.region"() ({
      %run_scoped3A = tpu.sem_alloc : memref<!tpu.dma_semaphore, #tpu.memory_space<semaphore_mem>>
      %dma_start3A = arith.constant 0 : i32
      %dma_start3A_34 = arith.constant 0 : i32
      %dma_start3A_35 = tpu.memref_slice %arg8[%dma_start3A, %dma_start3A_34] : memref<100x128xf32, #tpu.memory_space<vmem>> -> memref<80x128xf32, #tpu.memory_space<vmem>>
      %dma_start3A_36 = arith.constant 0 : i32
      %dma_start3A_37 = tpu.memref_slice %arg10[%add3A_11, %dma_start3A_36] : memref<10240x128xf32, #tpu.memory_space<vmem_shared>> -> memref<80x128xf32, #tpu.memory_space<vmem_shared>>
      %dma_start3A_38 = arith.constant 0 : i32
      %dma_start3A_39 = tpu.memref_slice %arg10[%add3A_11, %dma_start3A_38] : memref<10240x128xf32, #tpu.memory_space<vmem_shared>> -> memref<80x128xf32, #tpu.memory_space<vmem_shared>>
      %dma_start3A_40 = arith.constant 0 : i32
      %dma_start3A_41 = arith.constant 0 : i32
      %dma_start3A_42 = tpu.memref_slice %arg8[%dma_start3A_40, %dma_start3A_41] : memref<100x128xf32, #tpu.memory_space<vmem>> -> memref<80x128xf32, #tpu.memory_space<vmem>>
      tpu.enqueue_dma source(%dma_start3A_42 : memref<80x128xf32, #tpu.memory_space<vmem>>) target(%dma_start3A_39 : memref<80x128xf32, #tpu.memory_space<vmem_shared>>) target_semaphore(%run_scoped3A : memref<!tpu.dma_semaphore, #tpu.memory_space<semaphore_mem>>)
      %dma_wait3A = arith.constant 0 : i32
      %dma_wait3A_43 = arith.constant 0 : i32
      %dma_wait3A_44 = tpu.memref_slice %arg8[%dma_wait3A, %dma_wait3A_43] : memref<100x128xf32, #tpu.memory_space<vmem>> -> memref<80x128xf32, #tpu.memory_space<vmem>>
      %dma_wait3A_45 = arith.constant 0 : i32
      %dma_wait3A_46 = tpu.memref_slice %arg10[%add3A_11, %dma_wait3A_45] : memref<10240x128xf32, #tpu.memory_space<vmem_shared>> -> memref<80x128xf32, #tpu.memory_space<vmem_shared>>
      %dma_wait3A_47 = arith.constant 0 : i32
      %dma_wait3A_48 = tpu.memref_slice %arg10[%add3A_11, %dma_wait3A_47] : memref<10240x128xf32, #tpu.memory_space<vmem_shared>> -> memref<80x128xf32, #tpu.memory_space<vmem_shared>>
      %dma_wait3A_49 = arith.constant 0 : i32
      %dma_wait3A_50 = arith.constant 0 : i32
      %dma_wait3A_51 = tpu.memref_slice %arg8[%dma_wait3A_49, %dma_wait3A_50] : memref<100x128xf32, #tpu.memory_space<vmem>> -> memref<80x128xf32, #tpu.memory_space<vmem>>
      tpu.wait_dma2 semaphore(%run_scoped3A : memref<!tpu.dma_semaphore, #tpu.memory_space<semaphore_mem>>) src(%dma_wait3A_51 : memref<80x128xf32, #tpu.memory_space<vmem>>) dst(%dma_wait3A_48 : memref<80x128xf32, #tpu.memory_space<vmem_shared>>)
      tpu.yield
    }) : () -> ()
    %add3A_12 = arith.constant 80 : i32
    %add3A_13 = arith.addi %mul3A_9, %add3A_12 : i32
    "tpu.region"() ({
      %run_scoped3A = tpu.sem_alloc : memref<!tpu.dma_semaphore, #tpu.memory_space<semaphore_mem>>
      %dma_start3A = arith.constant 0 : i32
      %dma_start3A_34 = arith.constant 0 : i32
      %dma_start3A_35 = tpu.memref_slice %arg8[%dma_start3A, %dma_start3A_34] : memref<100x128xf32, #tpu.memory_space<vmem>> -> memref<80x128xf32, #tpu.memory_space<vmem>>
      %dma_start3A_36 = arith.constant 0 : i32
      %dma_start3A_37 = tpu.memref_slice %arg10[%add3A_13, %dma_start3A_36] : memref<10240x128xf32, #tpu.memory_space<vmem_shared>> -> memref<80x128xf32, #tpu.memory_space<vmem_shared>>
      %dma_start3A_38 = arith.constant 0 : i32
      %dma_start3A_39 = tpu.memref_slice %arg10[%add3A_13, %dma_start3A_38] : memref<10240x128xf32, #tpu.memory_space<vmem_shared>> -> memref<80x128xf32, #tpu.memory_space<vmem_shared>>
      %dma_start3A_40 = arith.constant 0 : i32
      %dma_start3A_41 = arith.constant 0 : i32
      %dma_start3A_42 = tpu.memref_slice %arg8[%dma_start3A_40, %dma_start3A_41] : memref<100x128xf32, #tpu.memory_space<vmem>> -> memref<80x128xf32, #tpu.memory_space<vmem>>
      tpu.enqueue_dma source(%dma_start3A_42 : memref<80x128xf32, #tpu.memory_space<vmem>>) target(%dma_start3A_39 : memref<80x128xf32, #tpu.memory_space<vmem_shared>>) target_semaphore(%run_scoped3A : memref<!tpu.dma_semaphore, #tpu.memory_space<semaphore_mem>>)
      %dma_wait3A = arith.constant 0 : i32
      %dma_wait3A_43 = arith.constant 0 : i32
      %dma_wait3A_44 = tpu.memref_slice %arg8[%dma_wait3A, %dma_wait3A_43] : memref<100x128xf32, #tpu.memory_space<vmem>> -> memref<80x128xf32, #tpu.memory_space<vmem>>
      %dma_wait3A_45 = arith.constant 0 : i32
      %dma_wait3A_46 = tpu.memref_slice %arg10[%add3A_13, %dma_wait3A_45] : memref<10240x128xf32, #tpu.memory_space<vmem_shared>> -> memref<80x128xf32, #tpu.memory_space<vmem_shared>>
      %dma_wait3A_47 = arith.constant 0 : i32
      %dma_wait3A_48 = tpu.memref_slice %arg10[%add3A_13, %dma_wait3A_47] : memref<10240x128xf32, #tpu.memory_space<vmem_shared>> -> memref<80x128xf32, #tpu.memory_space<vmem_shared>>
      %dma_wait3A_49 = arith.constant 0 : i32
      %dma_wait3A_50 = arith.constant 0 : i32
      %dma_wait3A_51 = tpu.memref_slice %arg8[%dma_wait3A_49, %dma_wait3A_50] : memref<100x128xf32, #tpu.memory_space<vmem>> -> memref<80x128xf32, #tpu.memory_space<vmem>>
      tpu.wait_dma2 semaphore(%run_scoped3A : memref<!tpu.dma_semaphore, #tpu.memory_space<semaphore_mem>>) src(%dma_wait3A_51 : memref<80x128xf32, #tpu.memory_space<vmem>>) dst(%dma_wait3A_48 : memref<80x128xf32, #tpu.memory_space<vmem_shared>>)
      tpu.yield
    }) : () -> ()
    %add3A_14 = arith.constant 160 : i32
    %add3A_15 = arith.addi %mul3A_9, %add3A_14 : i32
    "tpu.region"() ({
      %run_scoped3A = tpu.sem_alloc : memref<!tpu.dma_semaphore, #tpu.memory_space<semaphore_mem>>
      %dma_start3A = arith.constant 0 : i32
      %dma_start3A_34 = arith.constant 0 : i32
      %dma_start3A_35 = tpu.memref_slice %arg8[%dma_start3A, %dma_start3A_34] : memref<100x128xf32, #tpu.memory_space<vmem>> -> memref<80x128xf32, #tpu.memory_space<vmem>>
      %dma_start3A_36 = arith.constant 0 : i32
      %dma_start3A_37 = tpu.memref_slice %arg10[%add3A_15, %dma_start3A_36] : memref<10240x128xf32, #tpu.memory_space<vmem_shared>> -> memref<80x128xf32, #tpu.memory_space<vmem_shared>>
      %dma_start3A_38 = arith.constant 0 : i32
      %dma_start3A_39 = tpu.memref_slice %arg10[%add3A_15, %dma_start3A_38] : memref<10240x128xf32, #tpu.memory_space<vmem_shared>> -> memref<80x128xf32, #tpu.memory_space<vmem_shared>>
      %dma_start3A_40 = arith.constant 0 : i32
      %dma_start3A_41 = arith.constant 0 : i32
      %dma_start3A_42 = tpu.memref_slice %arg8[%dma_start3A_40, %dma_start3A_41] : memref<100x128xf32, #tpu.memory_space<vmem>> -> memref<80x128xf32, #tpu.memory_space<vmem>>
      tpu.enqueue_dma source(%dma_start3A_42 : memref<80x128xf32, #tpu.memory_space<vmem>>) target(%dma_start3A_39 : memref<80x128xf32, #tpu.memory_space<vmem_shared>>) target_semaphore(%run_scoped3A : memref<!tpu.dma_semaphore, #tpu.memory_space<semaphore_mem>>)
      %dma_wait3A = arith.constant 0 : i32
      %dma_wait3A_43 = arith.constant 0 : i32
      %dma_wait3A_44 = tpu.memref_slice %arg8[%dma_wait3A, %dma_wait3A_43] : memref<100x128xf32, #tpu.memory_space<vmem>> -> memref<80x128xf32, #tpu.memory_space<vmem>>
      %dma_wait3A_45 = arith.constant 0 : i32
      %dma_wait3A_46 = tpu.memref_slice %arg10[%add3A_15, %dma_wait3A_45] : memref<10240x128xf32, #tpu.memory_space<vmem_shared>> -> memref<80x128xf32, #tpu.memory_space<vmem_shared>>
      %dma_wait3A_47 = arith.constant 0 : i32
      %dma_wait3A_48 = tpu.memref_slice %arg10[%add3A_15, %dma_wait3A_47] : memref<10240x128xf32, #tpu.memory_space<vmem_shared>> -> memref<80x128xf32, #tpu.memory_space<vmem_shared>>
      %dma_wait3A_49 = arith.constant 0 : i32
      %dma_wait3A_50 = arith.constant 0 : i32
      %dma_wait3A_51 = tpu.memref_slice %arg8[%dma_wait3A_49, %dma_wait3A_50] : memref<100x128xf32, #tpu.memory_space<vmem>> -> memref<80x128xf32, #tpu.memory_space<vmem>>
      tpu.wait_dma2 semaphore(%run_scoped3A : memref<!tpu.dma_semaphore, #tpu.memory_space<semaphore_mem>>) src(%dma_wait3A_51 : memref<80x128xf32, #tpu.memory_space<vmem>>) dst(%dma_wait3A_48 : memref<80x128xf32, #tpu.memory_space<vmem_shared>>)
      tpu.yield
    }) : () -> ()
    %add3A_16 = arith.constant 240 : i32
    %add3A_17 = arith.addi %mul3A_9, %add3A_16 : i32
    "tpu.region"() ({
      %run_scoped3A = tpu.sem_alloc : memref<!tpu.dma_semaphore, #tpu.memory_space<semaphore_mem>>
      %dma_start3A = arith.constant 0 : i32
      %dma_start3A_34 = arith.constant 0 : i32
      %dma_start3A_35 = tpu.memref_slice %arg8[%dma_start3A, %dma_start3A_34] : memref<100x128xf32, #tpu.memory_space<vmem>> -> memref<80x128xf32, #tpu.memory_space<vmem>>
      %dma_start3A_36 = arith.constant 0 : i32
      %dma_start3A_37 = tpu.memref_slice %arg10[%add3A_17, %dma_start3A_36] : memref<10240x128xf32, #tpu.memory_space<vmem_shared>> -> memref<80x128xf32, #tpu.memory_space<vmem_shared>>
      %dma_start3A_38 = arith.constant 0 : i32
      %dma_start3A_39 = tpu.memref_slice %arg10[%add3A_17, %dma_start3A_38] : memref<10240x128xf32, #tpu.memory_space<vmem_shared>> -> memref<80x128xf32, #tpu.memory_space<vmem_shared>>
      %dma_start3A_40 = arith.constant 0 : i32
      %dma_start3A_41 = arith.constant 0 : i32
      %dma_start3A_42 = tpu.memref_slice %arg8[%dma_start3A_40, %dma_start3A_41] : memref<100x128xf32, #tpu.memory_space<vmem>> -> memref<80x128xf32, #tpu.memory_space<vmem>>
      tpu.enqueue_dma source(%dma_start3A_42 : memref<80x128xf32, #tpu.memory_space<vmem>>) target(%dma_start3A_39 : memref<80x128xf32, #tpu.memory_space<vmem_shared>>) target_semaphore(%run_scoped3A : memref<!tpu.dma_semaphore, #tpu.memory_space<semaphore_mem>>)
      %dma_wait3A = arith.constant 0 : i32
      %dma_wait3A_43 = arith.constant 0 : i32
      %dma_wait3A_44 = tpu.memref_slice %arg8[%dma_wait3A, %dma_wait3A_43] : memref<100x128xf32, #tpu.memory_space<vmem>> -> memref<80x128xf32, #tpu.memory_space<vmem>>
      %dma_wait3A_45 = arith.constant 0 : i32
      %dma_wait3A_46 = tpu.memref_slice %arg10[%add3A_17, %dma_wait3A_45] : memref<10240x128xf32, #tpu.memory_space<vmem_shared>> -> memref<80x128xf32, #tpu.memory_space<vmem_shared>>
      %dma_wait3A_47 = arith.constant 0 : i32
      %dma_wait3A_48 = tpu.memref_slice %arg10[%add3A_17, %dma_wait3A_47] : memref<10240x128xf32, #tpu.memory_space<vmem_shared>> -> memref<80x128xf32, #tpu.memory_space<vmem_shared>>
      %dma_wait3A_49 = arith.constant 0 : i32
      %dma_wait3A_50 = arith.constant 0 : i32
      %dma_wait3A_51 = tpu.memref_slice %arg8[%dma_wait3A_49, %dma_wait3A_50] : memref<100x128xf32, #tpu.memory_space<vmem>> -> memref<80x128xf32, #tpu.memory_space<vmem>>
      tpu.wait_dma2 semaphore(%run_scoped3A : memref<!tpu.dma_semaphore, #tpu.memory_space<semaphore_mem>>) src(%dma_wait3A_51 : memref<80x128xf32, #tpu.memory_space<vmem>>) dst(%dma_wait3A_48 : memref<80x128xf32, #tpu.memory_space<vmem_shared>>)
      tpu.yield
    }) : () -> ()
    %add3A_18 = arith.constant 320 : i32
    %add3A_19 = arith.addi %mul3A_9, %add3A_18 : i32
    "tpu.region"() ({
      %run_scoped3A = tpu.sem_alloc : memref<!tpu.dma_semaphore, #tpu.memory_space<semaphore_mem>>
      %dma_start3A = arith.constant 0 : i32
      %dma_start3A_34 = arith.constant 0 : i32
      %dma_start3A_35 = tpu.memref_slice %arg8[%dma_start3A, %dma_start3A_34] : memref<100x128xf32, #tpu.memory_space<vmem>> -> memref<80x128xf32, #tpu.memory_space<vmem>>
      %dma_start3A_36 = arith.constant 0 : i32
      %dma_start3A_37 = tpu.memref_slice %arg10[%add3A_19, %dma_start3A_36] : memref<10240x128xf32, #tpu.memory_space<vmem_shared>> -> memref<80x128xf32, #tpu.memory_space<vmem_shared>>
      %dma_start3A_38 = arith.constant 0 : i32
      %dma_start3A_39 = tpu.memref_slice %arg10[%add3A_19, %dma_start3A_38] : memref<10240x128xf32, #tpu.memory_space<vmem_shared>> -> memref<80x128xf32, #tpu.memory_space<vmem_shared>>
      %dma_start3A_40 = arith.constant 0 : i32
      %dma_start3A_41 = arith.constant 0 : i32
      %dma_start3A_42 = tpu.memref_slice %arg8[%dma_start3A_40, %dma_start3A_41] : memref<100x128xf32, #tpu.memory_space<vmem>> -> memref<80x128xf32, #tpu.memory_space<vmem>>
      tpu.enqueue_dma source(%dma_start3A_42 : memref<80x128xf32, #tpu.memory_space<vmem>>) target(%dma_start3A_39 : memref<80x128xf32, #tpu.memory_space<vmem_shared>>) target_semaphore(%run_scoped3A : memref<!tpu.dma_semaphore, #tpu.memory_space<semaphore_mem>>)
      %dma_wait3A = arith.constant 0 : i32
      %dma_wait3A_43 = arith.constant 0 : i32
      %dma_wait3A_44 = tpu.memref_slice %arg8[%dma_wait3A, %dma_wait3A_43] : memref<100x128xf32, #tpu.memory_space<vmem>> -> memref<80x128xf32, #tpu.memory_space<vmem>>
      %dma_wait3A_45 = arith.constant 0 : i32
      %dma_wait3A_46 = tpu.memref_slice %arg10[%add3A_19, %dma_wait3A_45] : memref<10240x128xf32, #tpu.memory_space<vmem_shared>> -> memref<80x128xf32, #tpu.memory_space<vmem_shared>>
      %dma_wait3A_47 = arith.constant 0 : i32
      %dma_wait3A_48 = tpu.memref_slice %arg10[%add3A_19, %dma_wait3A_47] : memref<10240x128xf32, #tpu.memory_space<vmem_shared>> -> memref<80x128xf32, #tpu.memory_space<vmem_shared>>
      %dma_wait3A_49 = arith.constant 0 : i32
      %dma_wait3A_50 = arith.constant 0 : i32
      %dma_wait3A_51 = tpu.memref_slice %arg8[%dma_wait3A_49, %dma_wait3A_50] : memref<100x128xf32, #tpu.memory_space<vmem>> -> memref<80x128xf32, #tpu.memory_space<vmem>>
      tpu.wait_dma2 semaphore(%run_scoped3A : memref<!tpu.dma_semaphore, #tpu.memory_space<semaphore_mem>>) src(%dma_wait3A_51 : memref<80x128xf32, #tpu.memory_space<vmem>>) dst(%dma_wait3A_48 : memref<80x128xf32, #tpu.memory_space<vmem_shared>>)
      tpu.yield
    }) : () -> ()
    %add3A_20 = arith.constant 400 : i32
    %add3A_21 = arith.addi %mul3A_9, %add3A_20 : i32
    "tpu.region"() ({
      %run_scoped3A = tpu.sem_alloc : memref<!tpu.dma_semaphore, #tpu.memory_space<semaphore_mem>>
      %dma_start3A = arith.constant 0 : i32
      %dma_start3A_34 = arith.constant 0 : i32
      %dma_start3A_35 = tpu.memref_slice %arg8[%dma_start3A, %dma_start3A_34] : memref<100x128xf32, #tpu.memory_space<vmem>> -> memref<80x128xf32, #tpu.memory_space<vmem>>
      %dma_start3A_36 = arith.constant 0 : i32
      %dma_start3A_37 = tpu.memref_slice %arg10[%add3A_21, %dma_start3A_36] : memref<10240x128xf32, #tpu.memory_space<vmem_shared>> -> memref<80x128xf32, #tpu.memory_space<vmem_shared>>
      %dma_start3A_38 = arith.constant 0 : i32
      %dma_start3A_39 = tpu.memref_slice %arg10[%add3A_21, %dma_start3A_38] : memref<10240x128xf32, #tpu.memory_space<vmem_shared>> -> memref<80x128xf32, #tpu.memory_space<vmem_shared>>
      %dma_start3A_40 = arith.constant 0 : i32
      %dma_start3A_41 = arith.constant 0 : i32
      %dma_start3A_42 = tpu.memref_slice %arg8[%dma_start3A_40, %dma_start3A_41] : memref<100x128xf32, #tpu.memory_space<vmem>> -> memref<80x128xf32, #tpu.memory_space<vmem>>
      tpu.enqueue_dma source(%dma_start3A_42 : memref<80x128xf32, #tpu.memory_space<vmem>>) target(%dma_start3A_39 : memref<80x128xf32, #tpu.memory_space<vmem_shared>>) target_semaphore(%run_scoped3A : memref<!tpu.dma_semaphore, #tpu.memory_space<semaphore_mem>>)
      %dma_wait3A = arith.constant 0 : i32
      %dma_wait3A_43 = arith.constant 0 : i32
      %dma_wait3A_44 = tpu.memref_slice %arg8[%dma_wait3A, %dma_wait3A_43] : memref<100x128xf32, #tpu.memory_space<vmem>> -> memref<80x128xf32, #tpu.memory_space<vmem>>
      %dma_wait3A_45 = arith.constant 0 : i32
      %dma_wait3A_46 = tpu.memref_slice %arg10[%add3A_21, %dma_wait3A_45] : memref<10240x128xf32, #tpu.memory_space<vmem_shared>> -> memref<80x128xf32, #tpu.memory_space<vmem_shared>>
      %dma_wait3A_47 = arith.constant 0 : i32
      %dma_wait3A_48 = tpu.memref_slice %arg10[%add3A_21, %dma_wait3A_47] : memref<10240x128xf32, #tpu.memory_space<vmem_shared>> -> memref<80x128xf32, #tpu.memory_space<vmem_shared>>
      %dma_wait3A_49 = arith.constant 0 : i32
      %dma_wait3A_50 = arith.constant 0 : i32
      %dma_wait3A_51 = tpu.memref_slice %arg8[%dma_wait3A_49, %dma_wait3A_50] : memref<100x128xf32, #tpu.memory_space<vmem>> -> memref<80x128xf32, #tpu.memory_space<vmem>>
      tpu.wait_dma2 semaphore(%run_scoped3A : memref<!tpu.dma_semaphore, #tpu.memory_space<semaphore_mem>>) src(%dma_wait3A_51 : memref<80x128xf32, #tpu.memory_space<vmem>>) dst(%dma_wait3A_48 : memref<80x128xf32, #tpu.memory_space<vmem_shared>>)
      tpu.yield
    }) : () -> ()
    %add3A_22 = arith.constant 480 : i32
    %add3A_23 = arith.addi %mul3A_9, %add3A_22 : i32
    "tpu.region"() ({
      %run_scoped3A = tpu.sem_alloc : memref<!tpu.dma_semaphore, #tpu.memory_space<semaphore_mem>>
      %dma_start3A = arith.constant 0 : i32
      %dma_start3A_34 = arith.constant 0 : i32
      %dma_start3A_35 = tpu.memref_slice %arg8[%dma_start3A, %dma_start3A_34] : memref<100x128xf32, #tpu.memory_space<vmem>> -> memref<80x128xf32, #tpu.memory_space<vmem>>
      %dma_start3A_36 = arith.constant 0 : i32
      %dma_start3A_37 = tpu.memref_slice %arg10[%add3A_23, %dma_start3A_36] : memref<10240x128xf32, #tpu.memory_space<vmem_shared>> -> memref<80x128xf32, #tpu.memory_space<vmem_shared>>
      %dma_start3A_38 = arith.constant 0 : i32
      %dma_start3A_39 = tpu.memref_slice %arg10[%add3A_23, %dma_start3A_38] : memref<10240x128xf32, #tpu.memory_space<vmem_shared>> -> memref<80x128xf32, #tpu.memory_space<vmem_shared>>
      %dma_start3A_40 = arith.constant 0 : i32
      %dma_start3A_41 = arith.constant 0 : i32
      %dma_start3A_42 = tpu.memref_slice %arg8[%dma_start3A_40, %dma_start3A_41] : memref<100x128xf32, #tpu.memory_space<vmem>> -> memref<80x128xf32, #tpu.memory_space<vmem>>
      tpu.enqueue_dma source(%dma_start3A_42 : memref<80x128xf32, #tpu.memory_space<vmem>>) target(%dma_start3A_39 : memref<80x128xf32, #tpu.memory_space<vmem_shared>>) target_semaphore(%run_scoped3A : memref<!tpu.dma_semaphore, #tpu.memory_space<semaphore_mem>>)
      %dma_wait3A = arith.constant 0 : i32
      %dma_wait3A_43 = arith.constant 0 : i32
      %dma_wait3A_44 = tpu.memref_slice %arg8[%dma_wait3A, %dma_wait3A_43] : memref<100x128xf32, #tpu.memory_space<vmem>> -> memref<80x128xf32, #tpu.memory_space<vmem>>
      %dma_wait3A_45 = arith.constant 0 : i32
      %dma_wait3A_46 = tpu.memref_slice %arg10[%add3A_23, %dma_wait3A_45] : memref<10240x128xf32, #tpu.memory_space<vmem_shared>> -> memref<80x128xf32, #tpu.memory_space<vmem_shared>>
      %dma_wait3A_47 = arith.constant 0 : i32
      %dma_wait3A_48 = tpu.memref_slice %arg10[%add3A_23, %dma_wait3A_47] : memref<10240x128xf32, #tpu.memory_space<vmem_shared>> -> memref<80x128xf32, #tpu.memory_space<vmem_shared>>
      %dma_wait3A_49 = arith.constant 0 : i32
      %dma_wait3A_50 = arith.constant 0 : i32
      %dma_wait3A_51 = tpu.memref_slice %arg8[%dma_wait3A_49, %dma_wait3A_50] : memref<100x128xf32, #tpu.memory_space<vmem>> -> memref<80x128xf32, #tpu.memory_space<vmem>>
      tpu.wait_dma2 semaphore(%run_scoped3A : memref<!tpu.dma_semaphore, #tpu.memory_space<semaphore_mem>>) src(%dma_wait3A_51 : memref<80x128xf32, #tpu.memory_space<vmem>>) dst(%dma_wait3A_48 : memref<80x128xf32, #tpu.memory_space<vmem_shared>>)
      tpu.yield
    }) : () -> ()
    %add3A_24 = arith.constant 560 : i32
    %add3A_25 = arith.addi %mul3A_9, %add3A_24 : i32
    "tpu.region"() ({
      %run_scoped3A = tpu.sem_alloc : memref<!tpu.dma_semaphore, #tpu.memory_space<semaphore_mem>>
      %dma_start3A = arith.constant 0 : i32
      %dma_start3A_34 = arith.constant 0 : i32
      %dma_start3A_35 = tpu.memref_slice %arg8[%dma_start3A, %dma_start3A_34] : memref<100x128xf32, #tpu.memory_space<vmem>> -> memref<80x128xf32, #tpu.memory_space<vmem>>
      %dma_start3A_36 = arith.constant 0 : i32
      %dma_start3A_37 = tpu.memref_slice %arg10[%add3A_25, %dma_start3A_36] : memref<10240x128xf32, #tpu.memory_space<vmem_shared>> -> memref<80x128xf32, #tpu.memory_space<vmem_shared>>
      %dma_start3A_38 = arith.constant 0 : i32
      %dma_start3A_39 = tpu.memref_slice %arg10[%add3A_25, %dma_start3A_38] : memref<10240x128xf32, #tpu.memory_space<vmem_shared>> -> memref<80x128xf32, #tpu.memory_space<vmem_shared>>
      %dma_start3A_40 = arith.constant 0 : i32
      %dma_start3A_41 = arith.constant 0 : i32
      %dma_start3A_42 = tpu.memref_slice %arg8[%dma_start3A_40, %dma_start3A_41] : memref<100x128xf32, #tpu.memory_space<vmem>> -> memref<80x128xf32, #tpu.memory_space<vmem>>
      tpu.enqueue_dma source(%dma_start3A_42 : memref<80x128xf32, #tpu.memory_space<vmem>>) target(%dma_start3A_39 : memref<80x128xf32, #tpu.memory_space<vmem_shared>>) target_semaphore(%run_scoped3A : memref<!tpu.dma_semaphore, #tpu.memory_space<semaphore_mem>>)
      %dma_wait3A = arith.constant 0 : i32
      %dma_wait3A_43 = arith.constant 0 : i32
      %dma_wait3A_44 = tpu.memref_slice %arg8[%dma_wait3A, %dma_wait3A_43] : memref<100x128xf32, #tpu.memory_space<vmem>> -> memref<80x128xf32, #tpu.memory_space<vmem>>
      %dma_wait3A_45 = arith.constant 0 : i32
      %dma_wait3A_46 = tpu.memref_slice %arg10[%add3A_25, %dma_wait3A_45] : memref<10240x128xf32, #tpu.memory_space<vmem_shared>> -> memref<80x128xf32, #tpu.memory_space<vmem_shared>>
      %dma_wait3A_47 = arith.constant 0 : i32
      %dma_wait3A_48 = tpu.memref_slice %arg10[%add3A_25, %dma_wait3A_47] : memref<10240x128xf32, #tpu.memory_space<vmem_shared>> -> memref<80x128xf32, #tpu.memory_space<vmem_shared>>
      %dma_wait3A_49 = arith.constant 0 : i32
      %dma_wait3A_50 = arith.constant 0 : i32
      %dma_wait3A_51 = tpu.memref_slice %arg8[%dma_wait3A_49, %dma_wait3A_50] : memref<100x128xf32, #tpu.memory_space<vmem>> -> memref<80x128xf32, #tpu.memory_space<vmem>>
      tpu.wait_dma2 semaphore(%run_scoped3A : memref<!tpu.dma_semaphore, #tpu.memory_space<semaphore_mem>>) src(%dma_wait3A_51 : memref<80x128xf32, #tpu.memory_space<vmem>>) dst(%dma_wait3A_48 : memref<80x128xf32, #tpu.memory_space<vmem_shared>>)
      tpu.yield
    }) : () -> ()
    %barrier3A = arith.constant 0 : index
    tpu.barrier barrier_id(%barrier3A)
    "tpu.region"() ({
      %run_scoped3A = tpu.sem_alloc : memref<!tpu.dma_semaphore, #tpu.memory_space<semaphore_mem>>
      %dma_start3A = arith.constant 0 : i32
      %dma_start3A_34 = arith.constant 0 : i32
      %dma_start3A_35 = tpu.memref_slice %arg3[%add3A, %dma_start3A, %dma_start3A_34] : memref<32x100x100xi32, #tpu.memory_space<hbm>> -> memref<1x100x100xi32, #tpu.memory_space<hbm>>
      %dma_start3A_36 = tpu.memref_squeeze %dma_start3A_35 : memref<1x100x100xi32, #tpu.memory_space<hbm>> -> memref<100x100xi32, #tpu.memory_space<hbm>>
      %dma_start3A_37 = arith.constant 0 : i32
      %dma_start3A_38 = arith.constant 0 : i32
      %dma_start3A_39 = tpu.memref_slice %arg3[%add3A, %dma_start3A_37, %dma_start3A_38] : memref<32x100x100xi32, #tpu.memory_space<hbm>> -> memref<1x100x100xi32, #tpu.memory_space<hbm>>
      %dma_start3A_40 = tpu.memref_squeeze %dma_start3A_39 : memref<1x100x100xi32, #tpu.memory_space<hbm>> -> memref<100x100xi32, #tpu.memory_space<hbm>>
      tpu.enqueue_dma source(%dma_start3A_40 : memref<100x100xi32, #tpu.memory_space<hbm>>) target(%arg6 : memref<100x100xi32, #tpu.memory_space<vmem>>) target_semaphore(%run_scoped3A : memref<!tpu.dma_semaphore, #tpu.memory_space<semaphore_mem>>)
      %dma_wait3A = arith.constant 0 : i32
      %dma_wait3A_41 = arith.constant 0 : i32
      %dma_wait3A_42 = tpu.memref_slice %arg3[%add3A, %dma_wait3A, %dma_wait3A_41] : memref<32x100x100xi32, #tpu.memory_space<hbm>> -> memref<1x100x100xi32, #tpu.memory_space<hbm>>
      %dma_wait3A_43 = tpu.memref_squeeze %dma_wait3A_42 : memref<1x100x100xi32, #tpu.memory_space<hbm>> -> memref<100x100xi32, #tpu.memory_space<hbm>>
      %dma_wait3A_44 = arith.constant 0 : i32
      %dma_wait3A_45 = arith.constant 0 : i32
      %dma_wait3A_46 = tpu.memref_slice %arg3[%add3A, %dma_wait3A_44, %dma_wait3A_45] : memref<32x100x100xi32, #tpu.memory_space<hbm>> -> memref<1x100x100xi32, #tpu.memory_space<hbm>>
      %dma_wait3A_47 = tpu.memref_squeeze %dma_wait3A_46 : memref<1x100x100xi32, #tpu.memory_space<hbm>> -> memref<100x100xi32, #tpu.memory_space<hbm>>
      tpu.wait_dma2 semaphore(%run_scoped3A : memref<!tpu.dma_semaphore, #tpu.memory_space<semaphore_mem>>) src(%dma_wait3A_47 : memref<100x100xi32, #tpu.memory_space<hbm>>) dst(%arg6 : memref<100x100xi32, #tpu.memory_space<vmem>>)
      tpu.yield
    }) : () -> ()
    "tpu.region"() ({
      %run_scoped3A = tpu.sem_alloc : memref<!tpu.dma_semaphore, #tpu.memory_space<semaphore_mem>>
      %dma_start3A = arith.constant 0 : i32
      %dma_start3A_34 = arith.constant 0 : i32
      %dma_start3A_35 = tpu.memref_slice %arg4[%add3A, %dma_start3A, %dma_start3A_34] : memref<32x100x100xi32, #tpu.memory_space<hbm>> -> memref<1x100x100xi32, #tpu.memory_space<hbm>>
      %dma_start3A_36 = tpu.memref_squeeze %dma_start3A_35 : memref<1x100x100xi32, #tpu.memory_space<hbm>> -> memref<100x100xi32, #tpu.memory_space<hbm>>
      %dma_start3A_37 = arith.constant 0 : i32
      %dma_start3A_38 = arith.constant 0 : i32
      %dma_start3A_39 = tpu.memref_slice %arg4[%add3A, %dma_start3A_37, %dma_start3A_38] : memref<32x100x100xi32, #tpu.memory_space<hbm>> -> memref<1x100x100xi32, #tpu.memory_space<hbm>>
      %dma_start3A_40 = tpu.memref_squeeze %dma_start3A_39 : memref<1x100x100xi32, #tpu.memory_space<hbm>> -> memref<100x100xi32, #tpu.memory_space<hbm>>
      tpu.enqueue_dma source(%dma_start3A_40 : memref<100x100xi32, #tpu.memory_space<hbm>>) target(%arg7 : memref<100x100xi32, #tpu.memory_space<vmem>>) target_semaphore(%run_scoped3A : memref<!tpu.dma_semaphore, #tpu.memory_space<semaphore_mem>>)
      %dma_wait3A = arith.constant 0 : i32
      %dma_wait3A_41 = arith.constant 0 : i32
      %dma_wait3A_42 = tpu.memref_slice %arg4[%add3A, %dma_wait3A, %dma_wait3A_41] : memref<32x100x100xi32, #tpu.memory_space<hbm>> -> memref<1x100x100xi32, #tpu.memory_space<hbm>>
      %dma_wait3A_43 = tpu.memref_squeeze %dma_wait3A_42 : memref<1x100x100xi32, #tpu.memory_space<hbm>> -> memref<100x100xi32, #tpu.memory_space<hbm>>
      %dma_wait3A_44 = arith.constant 0 : i32
      %dma_wait3A_45 = arith.constant 0 : i32
      %dma_wait3A_46 = tpu.memref_slice %arg4[%add3A, %dma_wait3A_44, %dma_wait3A_45] : memref<32x100x100xi32, #tpu.memory_space<hbm>> -> memref<1x100x100xi32, #tpu.memory_space<hbm>>
      %dma_wait3A_47 = tpu.memref_squeeze %dma_wait3A_46 : memref<1x100x100xi32, #tpu.memory_space<hbm>> -> memref<100x100xi32, #tpu.memory_space<hbm>>
      tpu.wait_dma2 semaphore(%run_scoped3A : memref<!tpu.dma_semaphore, #tpu.memory_space<semaphore_mem>>) src(%dma_wait3A_47 : memref<100x100xi32, #tpu.memory_space<hbm>>) dst(%arg7 : memref<100x100xi32, #tpu.memory_space<vmem>>)
      tpu.yield
    }) : () -> ()
    %scan3A_26 = arith.constant 0 : i32
    %scan3A_27 = arith.constant 0 : i32
    %scan3A_28 = arith.constant 100 : i32
    %scan3A_29 = arith.addi %scan3A_27, %scan3A_28 : i32
    %scan3A_30 = arith.constant 1 : i32
    %scan3A_31 = scf.for %scan3A_34 = %scan3A_27 to %scan3A_29 step %scan3A_30 iter_args(%scan3A_35 = %scan3A_26) -> (i32)  : i32 {
      %dma_start3A = arith.constant 0 : i32
      %dma_start3A_36 = tpu.memref_slice %arg6[%scan3A_34, %dma_start3A] : memref<100x100xi32, #tpu.memory_space<vmem>> -> memref<1x100xi32, #tpu.memory_space<vmem>>
      %dma_start3A_37 = tpu.memref_squeeze %dma_start3A_36 : memref<1x100xi32, #tpu.memory_space<vmem>> -> memref<100xi32, #tpu.memory_space<vmem>>
      %dma_start3A_38 = arith.constant 0 : i32
      %dma_start3A_39 = arith.constant 0 : i32
      %dma_start3A_40 = tpu.memref_slice %arg2[%dma_start3A_38, %dma_start3A_39] : memref<10000x128xf32, #tpu.memory_space<hbm>> -> memref<10000x128xf32, #tpu.memory_space<hbm>>
      tpu.enqueue_indirect_dma source(%dma_start3A_40 : memref<10000x128xf32, #tpu.memory_space<hbm>>) target(%arg8 : memref<100x128xf32, #tpu.memory_space<vmem>>) offsets(%dma_start3A_37 : memref<100xi32, #tpu.memory_space<vmem>>) semaphore(%arg9 : memref<!tpu.dma_semaphore, #tpu.memory_space<semaphore_mem>>)
      %dma_wait3A = arith.constant 0 : i32
      %dma_wait3A_41 = tpu.memref_slice %arg6[%scan3A_34, %dma_wait3A] : memref<100x100xi32, #tpu.memory_space<vmem>> -> memref<1x100xi32, #tpu.memory_space<vmem>>
      %dma_wait3A_42 = tpu.memref_squeeze %dma_wait3A_41 : memref<1x100xi32, #tpu.memory_space<vmem>> -> memref<100xi32, #tpu.memory_space<vmem>>
      %dma_wait3A_43 = arith.constant 0 : i32
      %dma_wait3A_44 = arith.constant 0 : i32
      %dma_wait3A_45 = tpu.memref_slice %arg2[%dma_wait3A_43, %dma_wait3A_44] : memref<10000x128xf32, #tpu.memory_space<hbm>> -> memref<10000x128xf32, #tpu.memory_space<hbm>>
      tpu.wait_indirect_dma semaphore(%arg9 : memref<!tpu.dma_semaphore, #tpu.memory_space<semaphore_mem>>) src(%dma_wait3A_45 : memref<10000x128xf32, #tpu.memory_space<hbm>>) dst(%arg8 : memref<100x128xf32, #tpu.memory_space<vmem>>)
      "tpu.region"() ({
        %run_scoped3A = tpu.sem_alloc : memref<!tpu.dma_semaphore, #tpu.memory_space<semaphore_mem>>
        %dma_start3A_47 = arith.constant 0 : i32
        %dma_start3A_48 = tpu.memref_slice %arg7[%scan3A_34, %dma_start3A_47] : memref<100x100xi32, #tpu.memory_space<vmem>> -> memref<1x100xi32, #tpu.memory_space<vmem>>
        %dma_start3A_49 = tpu.memref_squeeze %dma_start3A_48 : memref<1x100xi32, #tpu.memory_space<vmem>> -> memref<100xi32, #tpu.memory_space<vmem>>
        %dma_start3A_50 = arith.constant 0 : i32
        %dma_start3A_51 = arith.constant 0 : i32
        %dma_start3A_52 = tpu.memref_slice %arg10[%dma_start3A_50, %dma_start3A_51] : memref<10240x128xf32, #tpu.memory_space<vmem_shared>> -> memref<10240x128xf32, #tpu.memory_space<vmem_shared>>
        tpu.enqueue_indirect_dma source(%arg8 : memref<100x128xf32, #tpu.memory_space<vmem>>) target(%dma_start3A_52 : memref<10240x128xf32, #tpu.memory_space<vmem_shared>>) offsets(%dma_start3A_49 : memref<100xi32, #tpu.memory_space<vmem>>) semaphore(%run_scoped3A : memref<!tpu.dma_semaphore, #tpu.memory_space<semaphore_mem>>) {add = true}
        %dma_wait3A_53 = arith.constant 0 : i32
        %dma_wait3A_54 = tpu.memref_slice %arg7[%scan3A_34, %dma_wait3A_53] : memref<100x100xi32, #tpu.memory_space<vmem>> -> memref<1x100xi32, #tpu.memory_space<vmem>>
        %dma_wait3A_55 = tpu.memref_squeeze %dma_wait3A_54 : memref<1x100xi32, #tpu.memory_space<vmem>> -> memref<100xi32, #tpu.memory_space<vmem>>
        %dma_wait3A_56 = arith.constant 0 : i32
        %dma_wait3A_57 = arith.constant 0 : i32
        %dma_wait3A_58 = tpu.memref_slice %arg10[%dma_wait3A_56, %dma_wait3A_57] : memref<10240x128xf32, #tpu.memory_space<vmem_shared>> -> memref<10240x128xf32, #tpu.memory_space<vmem_shared>>
        tpu.wait_indirect_dma semaphore(%run_scoped3A : memref<!tpu.dma_semaphore, #tpu.memory_space<semaphore_mem>>) src(%arg8 : memref<100x128xf32, #tpu.memory_space<vmem>>) dst(%dma_wait3A_58 : memref<10240x128xf32, #tpu.memory_space<vmem_shared>>)
        tpu.yield
      }) : () -> ()
      %scan3A_46 = arith.constant 0 : i32
      scf.yield %scan3A_46 : i32
    }
    %scan3A_32 = arith.constant 100 : i32
    %barrier3A_33 = arith.constant 0 : index
    tpu.barrier barrier_id(%barrier3A_33)
    "tpu.region"() ({
      %run_scoped3A = tpu.sem_alloc : memref<!tpu.dma_semaphore, #tpu.memory_space<semaphore_mem>>
      %dma_start3A = arith.constant 0 : i32
      %dma_start3A_34 = tpu.memref_slice %arg5[%arg0, %mul3A_9, %dma_start3A] : memref<2x10240x128xf32, #tpu.memory_space<hbm>> -> memref<1x640x128xf32, #tpu.memory_space<hbm>>
      %dma_start3A_35 = tpu.memref_squeeze %dma_start3A_34 : memref<1x640x128xf32, #tpu.memory_space<hbm>> -> memref<640x128xf32, #tpu.memory_space<hbm>>
      %dma_start3A_36 = arith.constant 0 : i32
      %dma_start3A_37 = tpu.memref_slice %arg10[%mul3A_9, %dma_start3A_36] : memref<10240x128xf32, #tpu.memory_space<vmem_shared>> -> memref<640x128xf32, #tpu.memory_space<vmem_shared>>
      tpu.enqueue_dma source(%dma_start3A_37 : memref<640x128xf32, #tpu.memory_space<vmem_shared>>) target(%dma_start3A_35 : memref<640x128xf32, #tpu.memory_space<hbm>>) target_semaphore(%run_scoped3A : memref<!tpu.dma_semaphore, #tpu.memory_space<semaphore_mem>>)
      %dma_wait3A = arith.constant 0 : i32
      %dma_wait3A_38 = tpu.memref_slice %arg5[%arg0, %mul3A_9, %dma_wait3A] : memref<2x10240x128xf32, #tpu.memory_space<hbm>> -> memref<1x640x128xf32, #tpu.memory_space<hbm>>
      %dma_wait3A_39 = tpu.memref_squeeze %dma_wait3A_38 : memref<1x640x128xf32, #tpu.memory_space<hbm>> -> memref<640x128xf32, #tpu.memory_space<hbm>>
      %dma_wait3A_40 = arith.constant 0 : i32
      %dma_wait3A_41 = tpu.memref_slice %arg10[%mul3A_9, %dma_wait3A_40] : memref<10240x128xf32, #tpu.memory_space<vmem_shared>> -> memref<640x128xf32, #tpu.memory_space<vmem_shared>>
      tpu.wait_dma2 semaphore(%run_scoped3A : memref<!tpu.dma_semaphore, #tpu.memory_space<semaphore_mem>>) src(%dma_wait3A_41 : memref<640x128xf32, #tpu.memory_space<vmem_shared>>) dst(%dma_wait3A_39 : memref<640x128xf32, #tpu.memory_space<hbm>>)
      tpu.yield
    }) : () -> ()
    return
  }
}

module attributes {stable_mosaic.version = 14 : i64} {
  func.func @_final_body(%arg0: i32, %arg1: memref<2x1000x128xf32, #tpu.memory_space<vmem>>, %arg2: memref<128x128xf32, #tpu.memory_space<vmem>>, %arg3: memref<1000x128xf32, #tpu.memory_space<vmem>>, %arg4: memref<1000x128xf32, #tpu.memory_space<vmem>>) attributes {dimension_semantics = [#tpu.dimension_semantics<arbitrary>], iteration_bounds = array<i64: 10>, scalar_prefetch = 0 : i64, scratch_operands = 0 : i64, tpu.core_type = #tpu.core_type<tc>, window_params = [{transform_indices = @transform_0, window_bounds = array<i64: 2, 1000, 128>}, {pipeline_mode = #tpu.pipeline_mode<synchronous>, transform_indices = @transform_1, window_bounds = array<i64: 128, 128>}, {transform_indices = @transform_2, window_bounds = array<i64: 1000, 128>}, {transform_indices = @transform_3, window_bounds = array<i64: 1000, 128>}]} {
    %get3A = arith.constant 0 : index
    %get3A_0 = arith.constant 0 : index
    %get3A_1 = arith.constant 0 : index
    %get3A_2 = vector.load %arg1[%get3A, %get3A_0, %get3A_1] : memref<2x1000x128xf32, #tpu.memory_space<vmem>>, vector<1x1000x128xf32>
    %get3A_3 = vector.shape_cast %get3A_2 : vector<1x1000x128xf32> to vector<1000x128xf32>
    %get3A_4 = arith.constant 1 : index
    %get3A_5 = arith.constant 0 : index
    %get3A_6 = arith.constant 0 : index
    %get3A_7 = vector.load %arg1[%get3A_4, %get3A_5, %get3A_6] : memref<2x1000x128xf32, #tpu.memory_space<vmem>>, vector<1x1000x128xf32>
    %get3A_8 = vector.shape_cast %get3A_7 : vector<1x1000x128xf32> to vector<1000x128xf32>
    %add3A = arith.addf %get3A_3, %get3A_8 : vector<1000x128xf32>
    %get3A_9 = arith.constant 0 : index
    %get3A_10 = arith.constant 0 : index
    %get3A_11 = vector.load %arg2[%get3A_9, %get3A_10] : memref<128x128xf32, #tpu.memory_space<vmem>>, vector<128x128xf32>
    %dot_general3A = arith.constant dense<0.000000e+00> : vector<1000x128xf32>
    %dot_general3A_12 = tpu.matmul %add3A, %get3A_11, %dot_general3A {dimension_numbers = #tpu.dot_dimension_numbers<[1], [0], [0], [1], [0, 0, 1, 1], [], []>, transpose_lhs_hint = false} : vector<1000x128xf32>, vector<128x128xf32>, vector<1000x128xf32> -> vector<1000x128xf32>
    %get3A_13 = arith.constant 0 : index
    %get3A_14 = arith.constant 0 : index
    %get3A_15 = vector.load %arg3[%get3A_13, %get3A_14] : memref<1000x128xf32, #tpu.memory_space<vmem>>, vector<1000x128xf32>
    %add3A_16 = arith.addf %dot_general3A_12, %get3A_15 : vector<1000x128xf32>
    %swap3A = arith.constant 0 : index
    %swap3A_17 = arith.constant 0 : index
    %swap3A_18 = vector.load %arg4[%swap3A, %swap3A_17] : memref<1000x128xf32, #tpu.memory_space<vmem>>, vector<1000x128xf32>
    tpu.vector_store %arg4[%swap3A, %swap3A_17], %add3A_16 {strides = array<i32>} : memref<1000x128xf32, #tpu.memory_space<vmem>>, vector<1000x128xf32>,
    return
  }
  func.func @transform_0(%arg0: i32) -> (i32, i32, i32) {
    %c0_i32 = arith.constant 0 : i32
    %c0_i32_0 = arith.constant 0 : i32
    %c0_i32_1 = arith.constant 0 : i32
    return %c0_i32, %arg0, %c0_i32_0 : i32, i32, i32
  }
  func.func @transform_1(%arg0: i32) -> (i32, i32) {
    %c0_i32 = arith.constant 0 : i32
    %c0_i32_0 = arith.constant 0 : i32
    %c0_i32_1 = arith.constant 0 : i32
    return %c0_i32, %c0_i32_0 : i32, i32
  }
  func.func @transform_2(%arg0: i32) -> (i32, i32) {
    %c0_i32 = arith.constant 0 : i32
    %c0_i32_0 = arith.constant 0 : i32
    return %arg0, %c0_i32 : i32, i32
  }
  func.func @transform_3(%arg0: i32) -> (i32, i32) {
    %c0_i32 = arith.constant 0 : i32
    %c0_i32_0 = arith.constant 0 : i32
    return %arg0, %c0_i32 : i32, i32
  }
}

module attributes {stable_mosaic.version = 14 : i64} {
  func.func @_base_body(%arg0: i32, %arg1: memref<1000x128xf32, #tpu.memory_space<vmem>>, %arg2: memref<128x128xf32, #tpu.memory_space<vmem>>, %arg3: memref<1x128xf32, #tpu.memory_space<vmem>>, %arg4: memref<128x128xf32, #tpu.memory_space<vmem>>, %arg5: memref<1x128xf32, #tpu.memory_space<vmem>>, %arg6: memref<1000x128xf32, #tpu.memory_space<vmem>>, %arg7: memref<128x128xf32, #tpu.memory_space<vmem>>) attributes {dimension_semantics = [#tpu.dimension_semantics<arbitrary>], iteration_bounds = array<i64: 10>, scalar_prefetch = 0 : i64, scratch_operands = 0 : i64, tpu.core_type = #tpu.core_type<tc>, window_params = [{transform_indices = @transform_0, window_bounds = array<i64: 1000, 128>}, {pipeline_mode = #tpu.pipeline_mode<synchronous>, transform_indices = @transform_1, window_bounds = array<i64: 128, 128>}, {pipeline_mode = #tpu.pipeline_mode<synchronous>, transform_indices = @transform_2, window_bounds = array<i64: 1, 128>}, {pipeline_mode = #tpu.pipeline_mode<synchronous>, transform_indices = @transform_3, window_bounds = array<i64: 128, 128>}, {pipeline_mode = #tpu.pipeline_mode<synchronous>, transform_indices = @transform_4, window_bounds = array<i64: 1, 128>}, {transform_indices = @transform_5, window_bounds = array<i64: 1000, 128>}, {pipeline_mode = #tpu.pipeline_mode<synchronous>, transform_indices = @transform_6, window_bounds = array<i64: 128, 128>}]} {
    %get3A = arith.constant 0 : index
    %get3A_0 = arith.constant 0 : index
    %get3A_1 = vector.load %arg2[%get3A, %get3A_0] : memref<128x128xf32, #tpu.memory_space<vmem>>, vector<128x128xf32>
    %get3A_2 = arith.constant 0 : index
    %get3A_3 = arith.constant 0 : index
    %get3A_4 = vector.load %arg4[%get3A_2, %get3A_3] : memref<128x128xf32, #tpu.memory_space<vmem>>, vector<128x128xf32>
    %dot_general3A = arith.constant dense<0.000000e+00> : vector<128x128xf32>
    %dot_general3A_5 = tpu.matmul %get3A_1, %get3A_4, %dot_general3A {dimension_numbers = #tpu.dot_dimension_numbers<[1], [0], [0], [1], [0, 0, 1, 1], [], []>, transpose_lhs_hint = false} : vector<128x128xf32>, vector<128x128xf32>, vector<128x128xf32> -> vector<128x128xf32>
    %swap3A = arith.constant 0 : index
    %swap3A_6 = arith.constant 0 : index
    %swap3A_7 = vector.load %arg7[%swap3A, %swap3A_6] : memref<128x128xf32, #tpu.memory_space<vmem>>, vector<128x128xf32>
    tpu.vector_store %arg7[%swap3A, %swap3A_6], %dot_general3A_5 {strides = array<i32>} : memref<128x128xf32, #tpu.memory_space<vmem>>, vector<128x128xf32>,
    %get3A_8 = arith.constant 0 : index
    %get3A_9 = arith.constant 0 : index
    %get3A_10 = vector.load %arg3[%get3A_8, %get3A_9] : memref<1x128xf32, #tpu.memory_space<vmem>>, vector<1x128xf32>
    %get3A_11 = arith.constant 0 : index
    %get3A_12 = arith.constant 0 : index
    %get3A_13 = vector.load %arg4[%get3A_11, %get3A_12] : memref<128x128xf32, #tpu.memory_space<vmem>>, vector<128x128xf32>
    %dot_general3A_14 = arith.constant dense<0.000000e+00> : vector<1x128xf32>
    %dot_general3A_15 = tpu.matmul %get3A_10, %get3A_13, %dot_general3A_14 {dimension_numbers = #tpu.dot_dimension_numbers<[1], [0], [0], [1], [0, 0, 1, 1], [], []>, transpose_lhs_hint = false} : vector<1x128xf32>, vector<128x128xf32>, vector<1x128xf32> -> vector<1x128xf32>
    %get3A_16 = arith.constant 0 : index
    %get3A_17 = arith.constant 0 : index
    %get3A_18 = vector.load %arg5[%get3A_16, %get3A_17] : memref<1x128xf32, #tpu.memory_space<vmem>>, vector<1x128xf32>
    %add3A = arith.addf %dot_general3A_15, %get3A_18 : vector<1x128xf32>
    %get3A_19 = arith.constant 0 : index
    %get3A_20 = arith.constant 0 : index
    %get3A_21 = vector.load %arg1[%get3A_19, %get3A_20] : memref<1000x128xf32, #tpu.memory_space<vmem>>, vector<1000x128xf32>
    %dot_general3A_22 = arith.constant dense<0.000000e+00> : vector<1000x128xf32>
    %dot_general3A_23 = tpu.matmul %get3A_21, %dot_general3A_5, %dot_general3A_22 {dimension_numbers = #tpu.dot_dimension_numbers<[1], [0], [0], [1], [0, 0, 1, 1], [], []>, transpose_lhs_hint = false} : vector<1000x128xf32>, vector<128x128xf32>, vector<1000x128xf32> -> vector<1000x128xf32>
    %add3A_24 = vector.broadcast %add3A : vector<1x128xf32> to vector<1000x128xf32>
    %add3A_25 = arith.addf %dot_general3A_23, %add3A_24 : vector<1000x128xf32>
    %swap3A_26 = arith.constant 0 : index
    %swap3A_27 = arith.constant 0 : index
    %swap3A_28 = vector.load %arg6[%swap3A_26, %swap3A_27] : memref<1000x128xf32, #tpu.memory_space<vmem>>, vector<1000x128xf32>
    tpu.vector_store %arg6[%swap3A_26, %swap3A_27], %add3A_25 {strides = array<i32>} : memref<1000x128xf32, #tpu.memory_space<vmem>>, vector<1000x128xf32>,
    return
  }
  func.func @transform_0(%arg0: i32) -> (i32, i32) {
    %c0_i32 = arith.constant 0 : i32
    %c0_i32_0 = arith.constant 0 : i32
    return %arg0, %c0_i32 : i32, i32
  }
  func.func @transform_1(%arg0: i32) -> (i32, i32) {
    %c0_i32 = arith.constant 0 : i32
    %c0_i32_0 = arith.constant 0 : i32
    %c0_i32_1 = arith.constant 0 : i32
    return %c0_i32, %c0_i32_0 : i32, i32
  }
  func.func @transform_2(%arg0: i32) -> (i32, i32) {
    %c0_i32 = arith.constant 0 : i32
    %c0_i32_0 = arith.constant 0 : i32
    %c0_i32_1 = arith.constant 0 : i32
    return %c0_i32, %c0_i32_0 : i32, i32
  }
  func.func @transform_3(%arg0: i32) -> (i32, i32) {
    %c0_i32 = arith.constant 0 : i32
    %c0_i32_0 = arith.constant 0 : i32
    %c0_i32_1 = arith.constant 0 : i32
    return %c0_i32, %c0_i32_0 : i32, i32
  }
  func.func @transform_4(%arg0: i32) -> (i32, i32) {
    %c0_i32 = arith.constant 0 : i32
    %c0_i32_0 = arith.constant 0 : i32
    %c0_i32_1 = arith.constant 0 : i32
    return %c0_i32, %c0_i32_0 : i32, i32
  }
  func.func @transform_5(%arg0: i32) -> (i32, i32) {
    %c0_i32 = arith.constant 0 : i32
    %c0_i32_0 = arith.constant 0 : i32
    return %arg0, %c0_i32 : i32, i32
  }
  func.func @transform_6(%arg0: i32) -> (i32, i32) {
    %c0_i32 = arith.constant 0 : i32
    %c0_i32_0 = arith.constant 0 : i32
    %c0_i32_1 = arith.constant 0 : i32
    return %c0_i32, %c0_i32_0 : i32, i32
  }
}

</mosaic_0001>

<sc_bundles>
// kernel: kernel.5.cloned.1.call-start
scs
__scs_entry_jumppad:
0x0: {  	(pc) =	sbr.rel $0x88, $3  }
0x1: {  	(tag) =	ssettag $0x0;
	lr =	simm.s32 $0x1  }
0x2: {  	[smem:$0x3F9B] =	sst lr;
	_ =	strace $0xD0000000  }
0x3: {  	_ = 	snop  }
0x4: {  	_ = 	snop  }
0x5: {  	_ = 	snop  }
0x6: {  	_ = 	snop  }
0x7: {  	_ = 	snop  }
__scs_overlays_trampoline_lowered:
0x8: {  	[smem:$0x3FAA] =	sst s0  }
0x9: {  	[smem:$0x3FAB] =	sst s1  }
0xa: {  	[smem:$0x3FAC] =	sst s2  }
0xb: {  	[smem:$0x3FAD] =	sst s3  }
0xc: {  	[smem:$0x3FAE] =	sst s4  }
0xd: {  	[smem:$0x3FAF] =	sst s5  }
0xe: {  	[smem:$0x3FB0] =	sst s6  }
0xf: {  	[smem:$0x3FB1] =	sst s7  }
0x10: {  	[smem:$0x3FB2] =	sst s8  }
0x11: {  	[smem:$0x3FB3] =	sst s9;
	s0 =	simm.s32 @!p0 $0x0  }
0x12: {  	s1 =	sld [smem:$0x3F99];
	s0 =	simm.s32 @p0 $0x1  }
0x13: {  	[smem:$0x3FB4] =	sst s0;
	s0 =	simm.s32 @!p1 $0x0  }
0x14: {  	s2 =	sld [smem:$0x3F98];
	s0 =	simm.s32 @p1 $0x1  }
0x15: {  	[smem:$0x3FB5] =	sst s0;
	s0 =	simm.s32 @!p2 $0x0  }
0x16: {  	s3 =	sld [smem:$0x3FDB];
	s0 =	simm.s32 @p2 $0x1  }
0x17: {  	s4 =	simm.s32 $0x1BF5;
	[smem:$0x3FB7] =	sst s0  }
0x18: {  	s0 =	sld [smem:$0x3F9A];
	_ =	swait.ge [sflag:s4], $0x0  }
0x19: {  	s7 =	sld [smem:$0x3F9B]  }
0x1a: {  	s8 =	sadd.s32 $0xFFFFE003, lr  }
0x1b: {  	s9 =	sadd.s32 $0xFFFFFEF7, lr;
	s5 =	simm.s32 $0xFFFFFFFF;
	p2 =	slt.u32 s8, $0xFFFFF086  }
0x1c: {  	p1 =	slt.u32 s9, $0xF7A;
	s5 =	simm.s32 @!p2 $0x0  }
0x1d: {  	s5 =	simm.s32 @p1 $0x1;
	p0 =	seq.s32 s7, s2  }
0x1e: {  	s7 =	smul.u32 @!p0 $0xF7A, s2;
	p2 =	seq.s32 @!p0 s5, $0x0  }
0x1f: {  	s9 =	smul.u32 $0xF7A, s1;
	s8 =	simm.s32 @!p0 $0x1BF5;
	p2 =	por !p2, p0  }
0x20: {  	[sflag:s8] =	ssyncset.s32 @!p0 $0xFFFFF086;
	s6 =	sadd.s32 @!p0 s3, s7;
	s7 =	simm.s32 @!p0 $0x108  }
0x21: {  	s3 =	sadd.s32 s3, s9;
	s6 =	sadd.s32 @!p0 $0x88, s6;
	s7 =	simm.s32 @p2 $0x1082  }
0x22: {  	[simem:s7], [sflag:s8] =	dma.local @!p0 [hbm:s6], $0xF7A  }
0x23: {  	s9 =	sor.u32 $0xD0000000, s2;
	s6 =	simm.s32 $0x108;
	_ =	swait.ge @!p0 [sflag:s8], $0x0  }
0x24: {  	s3 =	sadd.s32 $0x88, s3;
	s6 =	simm.s32 @!p1 $0x1082;
	[sflag:s4] =	ssyncset.s32 $0xFFFFF086  }
0x25: {  	[simem:s6], [sflag:s4] =	dma.local [hbm:s3], $0xF7A  }
0x26: {  	[smem:$0x3F9B] =	sst s1;
	(tag) =	ssettag s2;
	_ =	strace s9  }
0x27: {  	s1 =	sld [smem:$0x3FAB]  }
0x28: {  	s2 =	sld [smem:$0x3FAC]  }
0x29: {  	s4 =	sld [smem:$0x3FAE]  }
0x2a: {  	p0 =	seq.s32 s5, $0x0;
	s5 =	sld [smem:$0x3FAF]  }
0x2b: {  	s6 =	sld [smem:$0x3FB0]  }
0x2c: {  	s7 =	sld [smem:$0x3FB1]  }
0x2d: {  	s3 =	simm.s32 $0x108;
	s8 =	sld [smem:$0x3FB2]  }
0x2e: {  	s3 =	simm.s32 @!p0 $0x1082;
	s9 =	sld [smem:$0x3FB3]  }
0x2f: {  	lr =	sadd.s32 s0, s3;
	s0 =	sld [smem:$0x3FAA]  }
0x30: {  	s3 =	sld [smem:$0x3FAD]  }
0x31: {  	[smem:$0x3FB6] =	sst s10  }
0x32: {  	s10 =	sld [smem:$0x3FB4];
	_ =	sdelay $0x3  }
0x33: {  	p0 =	seq.s32 s10, $0x1;
	s10 =	sld [smem:$0x3FB6];
	_ =	sdelay $0x3  }
0x34: {  	[smem:$0x3FB6] =	sst s10  }
0x35: {  	s10 =	sld [smem:$0x3FB5];
	_ =	sdelay $0x3  }
0x36: {  	p1 =	seq.s32 s10, $0x1;
	s10 =	sld [smem:$0x3FB6];
	_ =	sdelay $0x3  }
0x37: {  	[smem:$0x3FB6] =	sst s10  }
0x38: {  	s10 =	sld [smem:$0x3FB7]  }
0x39: {  	_ = 	snop;
	(pc) =	sbr.ind lr, $3  }
0x3a: {  	_ = 	snop  }
0x3b: {  	_ = 	snop  }
0x3c: {  	p2 =	seq.s32 s10, $0x1;
	s10 =	sld [smem:$0x3FB6]  }
0x3d: {  	_ =	shalt  }
0x3e: {  	_ =	shalt  }
0x3f: {  	_ =	shalt  }
0x40: {  	_ =	shalt  }
0x41: {  	_ =	shalt  }
0x42: {  	_ =	shalt  }
0x43: {  	_ =	shalt  }
0x44: {  	_ =	shalt  }
0x45: {  	_ =	shalt  }
0x46: {  	_ =	shalt  }
0x47: {  	_ =	shalt  }
0x48: {  	_ =	shalt  }
0x49: {  	_ =	shalt  }
0x4a: {  	_ =	shalt  }
0x4b: {  	_ =	shalt  }
0x4c: {  	_ =	shalt  }
0x4d: {  	_ =	shalt  }
0x4e: {  	_ =	shalt  }
0x4f: {  	_ =	shalt  }
0x50: {  	_ =	shalt  }
0x51: {  	_ =	shalt  }
0x52: {  	_ =	shalt  }
0x53: {  	_ =	shalt  }
0x54: {  	_ =	shalt  }
0x55: {  	_ =	shalt  }
0x56: {  	_ =	shalt  }
0x57: {  	_ =	shalt  }
0x58: {  	_ =	shalt  }
0x59: {  	_ =	shalt  }
0x5a: {  	_ =	shalt  }
0x5b: {  	_ =	shalt  }
0x5c: {  	_ =	shalt  }
0x5d: {  	_ =	shalt  }
0x5e: {  	_ =	shalt  }
0x5f: {  	_ =	shalt  }
0x60: {  	_ =	shalt  }
0x61: {  	_ =	shalt  }
0x62: {  	_ =	shalt  }
0x63: {  	_ =	shalt  }
0x64: {  	_ =	shalt  }
0x65: {  	_ =	shalt  }
0x66: {  	_ =	shalt  }
0x67: {  	_ =	shalt  }
0x68: {  	_ =	shalt  }
0x69: {  	_ =	shalt  }
0x6a: {  	_ =	shalt  }
0x6b: {  	_ =	shalt  }
0x6c: {  	_ =	shalt  }
0x6d: {  	_ =	shalt  }
0x6e: {  	_ =	shalt  }
0x6f: {  	_ =	shalt  }
0x70: {  	_ =	shalt  }
0x71: {  	_ =	shalt  }
0x72: {  	_ =	shalt  }
0x73: {  	_ =	shalt  }
0x74: {  	_ =	shalt  }
0x75: {  	_ =	shalt  }
0x76: {  	_ =	shalt  }
0x77: {  	_ =	shalt  }
0x78: {  	_ =	shalt  }
0x79: {  	_ =	shalt  }
0x7a: {  	_ =	shalt  }
0x7b: {  	_ =	shalt  }
0x7c: {  	_ =	shalt  }
0x7d: {  	_ =	shalt  }
0x7e: {  	_ =	shalt  }
0x7f: {  	_ =	shalt  }
0x80: {  	_ =	shalt  }
0x81: {  	_ =	shalt  }
0x82: {  	_ =	shalt  }
0x83: {  	_ =	shalt  }
0x84: {  	_ =	shalt  }
0x85: {  	_ =	shalt  }
0x86: {  	_ =	shalt  }
0x87: {  	_ =	shalt  }
.Lfunc_end0:
.L_simem_size_0:
called_computation_lowered:
.L_overlay_start_0:
0x88: {  	s2 =	sld [smem:$0x3FD9]  }
0x89: {  	s3 =	sld [smem:$0x3FFE];
	_ =	sdelay $0x1  }
0x8a: {  	s1 =	srdreg.scid  }
0x8b: {  	s0 =	sand.u32 $0x1, s1  }
0x8c: {  	s17 =	sshll.u32 s0, $0xA;
	s2 =	sadd.s32 s3, s2  }
0x8d: {  	s2 =	sadd.s32 s2, s17  }
0x8e: {  	[smem:$0x3FC2] =	sst s2  }
0x8f: {  	_ = 	snop  }
0x90: {  	s2 =	sld [smem:$0x3FC9]  }
0x91: {  	s18 =	sld [smem:$0x3FD0];
	(tm) =	ssettm $0x1  }
0x92: {  	s4 =	sld [smem:$0x3FFB];
	_ =	sdelay $0x3  }
0x93: {  	_ =	strace s4  }
0x94: {  	s4 =	sld [smem:$0x3FFC];
	_ =	sdelay $0x3  }
0x95: {  	_ =	strace s4  }
0x96: {  	s4 =	sld [smem:$0x3FFD];
	_ =	sdelay $0x3  }
0x97: {  	_ =	strace s4  }
0x98: {  	_ =	strace $0x8FFFFFFF  }
0x99: {  	s19 =	sld [smem:$0x3FDB];
	_ =	sdelay $0x1  }
0x9a: {  	s5 =	simm.s32 $_scs_section_size  }
0x9b: {  	s6 =	simm.s32 $_size__tile_overlayer_lowered;
	s7 =	simm.s32 $_tile_overlayer_lowered  }
0x9c: {  	s22 =	simm.s32 $0x1BFF;
	s21 =	sshll.u32 s7, $0x1;
	s4 =	sadd.s32 s5, s19  }
0x9d: {  	s8 =	simm.s32 $0x0;
	s20 =	sshll.u32 s6, $0x1;
	s6 =	sadd.s32 s21, s4  }
0x9e: {  	[timem:s8], [sflag:s22] =	dma.local [hbm:s6], s20  }
0x9f: {  	_ =	swait.ge [sflag:s22], s20  }
0xa0: {  	s5 =	ssub.s32 $0x0, s20;
	[sflag:s22] =	ssyncset.done $0x0  }
0xa1: {  	[sflag:s22] =	ssyncadd.s32 s5;
	_ =	sdelay $0x1  }
0xa2: {  	s23 =	simm.s32 $0x1B8B  }
0xa3: {  	_ =	swait.ge [sflag:s23], $0x1  }
0xa4: {  	[sflag:s23] =	ssyncset.done $0x0  }
0xa5: {  	s25 =	simm.s32 $0x1B8E;
	s24 =	sld [smem:$0x3FFE];
	[sflag:s23] =	ssyncadd.s32 $0xFFFFFFFF  }
0xa6: {  	s26 =	simm.s32 $execute0_lowered;
	[smem:$0x3FD2] =	sst s25  }
0xa7: {  	s6 =	sshll.u32 s26, $0x1;
	_ =	strace $0x80000046;
	[dreg:$0x1] =	wrdreg $0xFFFFFFFF  }
0xa8: {  	s28 =	simm.s32 $_size_execute0_lowered;
	s4 =	sadd.s32 s4, s6;
	[dreg:$0x0] =	wrdreg $0x0  }
0xa9: {  	s6 =	sshll.u32 s28, $0x1;
	[dreg:$0x2] =	wrdreg s4  }
0xaa: {  	[dreg:$0x3] =	wrdreg s6  }
0xab: {  	[dreg:$0x4] =	wrdreg $0xC0  }
0xac: {  	_ =	task [dreg:s8], $0x5FFFF  }
0xad: {  	[dreg:$0x1] =	wrdreg $0xFFFFFFFF  }
0xae: {  	[dreg:$0x0] =	wrdreg $0x60  }
0xaf: {  	[dreg:$0x2] =	wrdreg s2  }
0xb0: {  	[dreg:$0x3] =	wrdreg s18  }
0xb1: {  	[dreg:$0x4] =	wrdreg s24  }
0xb2: {  	[dreg:$0x5] =	wrdreg $0x9C000  }
0xb3: {  	[dreg:$0x6] =	wrdreg $0x9  }
0xb4: {  	_ =	task.clear_ibuf [dreg:s8], $0x7FFFF;
	_ =	strace $0x90000046  }
0xb5: {  	s29 =	simm.s32 $0x9;
	_ =	strace $0x80000048  }
0xb6: {  	_ =	swait.ge [sflag:s29], $0x1  }
0xb7: {  	[sflag:s29] =	ssyncadd.s32 $0xFFFFFFFF  }
0xb8: {  	_ =	strace $0x90000048  }
0xb9: {  	_ =	sfence  }
0xba: {  	s30 =	sld [smem:$0x0];
	_ =	sdelay $0x2  }
0xbb: {  	s31 =	sshll.u32 s1, $0xD;
	s1 =	sshrl.u32 s1, $0x2  }
0xbc: {  	s3 =	sand.u32 $0x4000, s31;
	s1 =	sadd.s32 s1, s30  }
0xbd: {  	s0 =	sor.u32 s3, s0;
	s1 =	sshll.u32 s1, $0x11  }
0xbe: {  	s0 =	sor.u32 s1, s0  }
0xbf: {  	s0 =	sadd.s32 $0x8F2B, s0  }
0xc0: {  	[sflag:s0] =	ssyncadd.remote.s32 $0x1  }
0xc1: {  	_ =	sfence.sel $0xFFFF  }
0xc2: {  	[dreg:$0x0] =	wrdreg $0xFFFFFFFF;
	(pc) =	sbr.abs _section_cstart, $3  }
0xc3: {  	[dreg:$0x1] =	wrdreg $0xFFFFFFFF  }
0xc4: {  	_ =	task.clear_ibuf [dreg:s8], $0x2FFFF;
	_ =	strace $0x9FFFFFFF  }
0xc5: {  	(tm) =	ssettm $0x7FFFFFFF  }
tec
execute0_lowered:
.L_overlay_start_1:
0x0: {  	(tag) =	ssettag $0x1  }
0x1: {  	s1 =	rddreg [dreg:$0x0]  }
0x2: {  	s13 =	rddreg [dreg:$0x1]  }
0x3: {  	s0 =	srdreg.scid;
	s6 =	rddreg [dreg:$0x2]  }
0x4: {  	s3 =	rddreg [dreg:$0x3];
	s4 =	simm.s32 $0x0;
	s18 =	simm.s32 $0x2  }
0x5: {  	s19 =	simm.s32 $0x3400;
	s20 =	simm.s32 $0x64;
	s5 =	sand.u32 $0x1, s0  }
0x6: {  	s21 =	simm.s32 $0x1;
	s0 =	stileid.u32;
	s7 =	smul.u32 $0x140000, s5  }
0x7: {  	s22 =	simm.s32 $0x0;
	s2 =	sshll.u32 s5, $0x4;
	s8 =	smul.u32 $0x14000, s0  }
0x8: {  	s9 =	smul.u32 $0x50000, s0;
	s29 =	ssub.s32 $0x2, s5;
	s2 =	sor.u32 s0, s2  }
0x9: {  	[smem:$0x7FF] =	sst s4;
	s31 =	sshrl.u32 s29, $0x1;
	s14 =	smul.u32 $0x680, s2  }
0xa: {  	s2 =	rddreg [dreg:$0x4];
	_ =	strace $0x80000047;
	s7 =	sadd.s32 s8, s7  }
0xb: {  	s30 =	sshrl.u32 s9, $0x2;
	s17 =	ssub.s32 s29, s31;
	s7 =	sshrl.u32 s7, $0x3  }
0xc: {  	s5 =	sadd.s32 s30, s3;
	s15 =	sadd.s32 s14, s6;
	s16 =	sadd.s32 s7, s6  }
0xd: {  	s6 =	sadd.s32 $0x2800, s5;
	s7 =	sadd.s32 $0x5000, s5;
	s8 =	sadd.s32 $0x7800, s5  }
0xe: {  	s9 =	sadd.s32 $0xA000, s5;
	s10 =	sadd.s32 $0xC800, s5;
	s11 =	sadd.s32 $0xF000, s5  }
0xf: {  	s12 =	sadd.s32 $0x11800, s5;
	s13 =	sadd.s32 s13, s14;
	s14 =	sadd.s32 $0x1000, s15  }
0x10: {  	v0 =	vimm.f32 $0.0e+00;
	s15 =	sadd.s32 $0xE000, s16;
	s16 =	smax.u32 s17, $0x1;
	s17 =	simm.s32 $0x6800  }
.LBB2_1:
0x11: {  	s23 =	sand.u32 $0xFE00, s4  }
0x12: {  	s24 =	sand.u32 $0x70, s4;
	s25 =	sshrl.u32 s23, $0x2  }
0x13: {  	s23 =	simm.s32 $0x40;
	s25 =	sor.u32 s24, s25;
	s24 =	simm.s32 $0x0  }
.LBB2_2:
0x14: {  	p0 =	sne.s32 s23, $0x9FC0  }
0x15: {  	[tilespmem:s25+$0x6800] =	vst v0;
	s24 =	sadd.s32 $0x10, s24;
	s25 =	smov.u32 s23;
	s23 =	sadd.s32 $0x40, s23  }
.Ltmp0:
0x16: {  	(pc) =	sbr.rel @p0 .LBB2_2-.Ltmp0, $4  }
0x17: {  	_ = 	snop  }
0x18: {  	s25 =	sand.u32 $0xFE00, s25  }
0x19: {  	s26 =	sand.u32 $0x70, s24;
	s25 =	sshrl.u32 s25, $0x2  }
0x1a: {  	s25 =	sor.u32 s26, s25  }
0x1b: {  	[tilespmem:s25+$0x6800] =	vst v0  }
0x1c: {  	[spmem:s5] =	stream.linear.scatter [tilespmem:s17], [sflag:$0x2], $0x2800, $0x38;
	[tilespmem:$0x1DC00] =	vst v63  }
0x1d: {  	_ =	swait.ge [sflag:s18], $0x2800  }
0x1e: {  	[sflag:s18] =	ssyncset.done $0x0  }
0x1f: {  	[sflag:s18] =	ssyncadd.s32 $0xFFFFD800  }
0x20: {  	[spmem:s6] =	stream.linear.scatter [tilespmem:s17], [sflag:$0x2], $0x2800, $0x38;
	[tilespmem:$0x1DC00] =	vst v63  }
0x21: {  	_ =	swait.ge [sflag:s18], $0x2800  }
0x22: {  	[sflag:s18] =	ssyncset.done $0x0  }
0x23: {  	[sflag:s18] =	ssyncadd.s32 $0xFFFFD800  }
0x24: {  	[spmem:s7] =	stream.linear.scatter [tilespmem:s17], [sflag:$0x2], $0x2800, $0x38;
	[tilespmem:$0x1DC00] =	vst v63  }
0x25: {  	_ =	swait.ge [sflag:s18], $0x2800  }
0x26: {  	[sflag:s18] =	ssyncset.done $0x0  }
0x27: {  	[sflag:s18] =	ssyncadd.s32 $0xFFFFD800  }
0x28: {  	[spmem:s8] =	stream.linear.scatter [tilespmem:s17], [sflag:$0x2], $0x2800, $0x38;
	[tilespmem:$0x1DC00] =	vst v63  }
0x29: {  	_ =	swait.ge [sflag:s18], $0x2800  }
0x2a: {  	[sflag:s18] =	ssyncset.done $0x0  }
0x2b: {  	[sflag:s18] =	ssyncadd.s32 $0xFFFFD800  }
0x2c: {  	[spmem:s9] =	stream.linear.scatter [tilespmem:s17], [sflag:$0x2], $0x2800, $0x38;
	[tilespmem:$0x1DC00] =	vst v63  }
0x2d: {  	_ =	swait.ge [sflag:s18], $0x2800  }
0x2e: {  	[sflag:s18] =	ssyncset.done $0x0  }
0x2f: {  	[sflag:s18] =	ssyncadd.s32 $0xFFFFD800  }
0x30: {  	[spmem:s10] =	stream.linear.scatter [tilespmem:s17], [sflag:$0x2], $0x2800, $0x38;
	[tilespmem:$0x1DC00] =	vst v63  }
0x31: {  	_ =	swait.ge [sflag:s18], $0x2800  }
0x32: {  	[sflag:s18] =	ssyncset.done $0x0  }
0x33: {  	[sflag:s18] =	ssyncadd.s32 $0xFFFFD800  }
0x34: {  	[spmem:s11] =	stream.linear.scatter [tilespmem:s17], [sflag:$0x2], $0x2800, $0x38;
	[tilespmem:$0x1DC00] =	vst v63  }
0x35: {  	_ =	swait.ge [sflag:s18], $0x2800  }
0x36: {  	[sflag:s18] =	ssyncset.done $0x0  }
0x37: {  	[sflag:s18] =	ssyncadd.s32 $0xFFFFD800  }
0x38: {  	[spmem:s12] =	stream.linear.scatter [tilespmem:s17], [sflag:$0x2], $0x2800, $0x38;
	[tilespmem:$0x1DC00] =	vst v63  }
0x39: {  	_ =	swait.ge [sflag:s18], $0x2800  }
0x3a: {  	[sflag:s18] =	ssyncset.done $0x0  }
0x3b: {  	[sflag:s18] =	ssyncadd.s32 $0xFFFFD800  }
0x3c: {  	s23 =	simm.s32 $0x0;
	[bflag:$0x0] =	sbarrier.arrive $0xFFFF  }
0x3d: {  	[tilespmem:s23], [sflag:$0x2] =	stream.linear.gather [hbm4b:s13+s23], $0x3200, $0x38;
	[tilespmem:$0x1DC00] =	vst v63  }
0x3e: {  	_ =	swait.ge [sflag:s18], $0x3200  }
0x3f: {  	[sflag:s18] =	ssyncset.done $0x0  }
0x40: {  	[sflag:s18] =	ssyncadd.s32 $0xFFFFCE00  }
0x41: {  	[tilespmem:s19], [sflag:$0x2] =	stream.linear.gather [hbm4b:s14+s23], $0x3200, $0x38;
	[tilespmem:$0x1DC00] =	vst v63  }
0x42: {  	_ =	swait.ge [sflag:s18], $0x3200  }
0x43: {  	[sflag:s18] =	ssyncset.done $0x0  }
0x44: {  	s30 =	simm.s32 $0x0;
	[sflag:s18] =	ssyncadd.s32 $0xFFFFCE00  }
0x45: {  	[tilespmem:s17], [sflag:$0x1] =	stream.indirect.gather [hbm4b:s1+s20], $0x80, s30, s20, $0xb8;
	[tilespmem:$0x1DC00] =	vst v63  }
0x46: {  	_ =	swait.ge [sflag:s21], $0x3200  }
0x47: {  	[sflag:s21] =	ssyncset.done $0x0  }
0x48: {  	s31 =	simm.s32 $0x3400;
	[sflag:s21] =	ssyncadd.s32 $0xFFFFCE00  }
0x49: {  	[spmem:s3] =	stream.indirect.scatter.add.f32 [tilespmem:s17], [sflag:$0x2], $0x80, s31, s20, $0xb8;
	[tilespmem:$0x1DC00] =	vst v63  }
0x4a: {  	_ =	swait.ge [sflag:s18], $0x3200  }
0x4b: {  	s24 =	simm.s32 $0x400;
	s23 =	simm.s32 $0x200;
	[sflag:s18] =	ssyncset.done $0x0  }
.LBB2_4:
0x4c: {  	s25 =	sshra.s32 s23, $0x2  }
0x4d: {  	[sflag:s18] =	ssyncadd.s32 $0xFFFFCE00;
	s23 =	smov.u32 s24;
	s26 =	sadd.s32 $0x200, s24  }
0x4e: {  	[tilespmem:s17], [sflag:$0x1] =	stream.indirect.gather [hbm4b:s1+s20], $0x80, s25, s20, $0xb8;
	[tilespmem:$0x1DC00] =	vst v63  }
0x4f: {  	p0 =	sne.s32 s24, $0xC600;
	_ =	swait.ge [sflag:s21], $0x3200  }
.Ltmp1:
0x50: {  	[sflag:s21] =	ssyncset.done $0x0;
	(pc) =	sbr.rel @p0 .LBB2_4-.Ltmp1, $4  }
0x51: {  	s24 =	sadd.s32 $0x3400, s25;
	[sflag:s21] =	ssyncadd.s32 $0xFFFFCE00  }
0x52: {  	[spmem:s3] =	stream.indirect.scatter.add.f32 [tilespmem:s17], [sflag:$0x2], $0x80, s24, s20, $0xb8;
	[tilespmem:$0x1DC00] =	vst v63  }
0x53: {  	_ =	swait.ge [sflag:s18], $0x3200  }
0x54: {  	s24 =	smov.u32 s26;
	[sflag:s18] =	ssyncset.done $0x0  }
0x55: {  	s23 =	sshra.s32 s23, $0x2;
	[sflag:s18] =	ssyncadd.s32 $0xFFFFCE00  }
0x56: {  	[tilespmem:s17], [sflag:$0x1] =	stream.indirect.gather [hbm4b:s1+s20], $0x80, s23, s20, $0xb8;
	[tilespmem:$0x1DC00] =	vst v63  }
0x57: {  	_ =	swait.ge [sflag:s21], $0x3200  }
0x58: {  	[sflag:s21] =	ssyncset.done $0x0  }
0x59: {  	s23 =	sadd.s32 $0x3400, s23;
	[sflag:s21] =	ssyncadd.s32 $0xFFFFCE00  }
0x5a: {  	[spmem:s3] =	stream.indirect.scatter.add.f32 [tilespmem:s17], [sflag:$0x2], $0x80, s23, s20, $0xb8;
	[tilespmem:$0x1DC00] =	vst v63  }
0x5b: {  	_ =	swait.ge [sflag:s18], $0x3200  }
0x5c: {  	s31 =	sshll.u32 s0, $0x6;
	s22 =	sadd.s32 $0x1, s22;
	[sflag:s18] =	ssyncset.done $0x0  }
0x5d: {  	s24 =	sshrl.u32 s5, $0x3;
	p0 =	sne.s32 s22, s16;
	[sflag:s18] =	ssyncadd.s32 $0xFFFFCE00  }
.Ltmp2:
0x5e: {  	s23 =	sor.u32 $0x1C02, s31;
	[bflag:$0x0] =	sbarrier.arrive $0xFFFF;
	(pc) =	sbr.rel @p0 .LBB2_1-.Ltmp2, $4  }
0x5f: {  	[hbm:s15], [sflag:s23] =	dma.local [spmem:s24], $0x2800  }
0x60: {  	_ =	swait.ge [sflag:s18], $0x2800  }
0x61: {  	[sflag:s18] =	ssyncset.done $0x0  }
0x62: {  	[sflag:s18] =	ssyncadd.s32 $0xFFFFD800  }
0x63: {  	_ =	sfence.sel $0x180000  }
0x64: {  	[bflag:$0x0] =	sbarrier.arrive $0xFFFF  }
0x65: {  	p0 =	sne.s32 s0, $0x0;
	_ =	strace $0x90000047  }
0x66: {  	s0 =	sadd.s32 @!p0 $0x100000, s2;
	[bflag:$0x2] =	sbarrier.arrive $0xFFFF  }
0x67: {  	[sflag:s0] =	ssyncadd.tile.s32 @!p0 $0x1;
	_ =	shalt  }
.Lfunc_end2:
_tile_overlayer_lowered:
.L_overlay_start_2:
0x68: {  	(tag) =	ssettag $0x2  }
0x69: {  	s0 =	rddreg [dreg:$0x0];
	s2 =	stileid.u32  }
0x6a: {  	s1 =	rddreg [dreg:$0x1];
	p0 =	sne.s32 s2, $0x0  }
0x6b: {  	s3 =	rddreg [dreg:$0x2];
	[bflag:$0x3] =	sbarrier.arrive $0xFFFF;
	s2 =	simm.s32 @!p0 $0x1C02  }
0x6c: {  	[timem:s3], [sflag:s2] =	dma.local @!p0 [hbm:s0], s1  }
0x6d: {  	s0 =	simm.s32 @!p0 $0x2  }
0x6e: {  	_ =	swait.ge @!p0 [sflag:s0], s1  }
0x6f: {  	s1 =	ssub.s32 @!p0 $0x0, s1;
	[sflag:s0] =	ssyncset.done @!p0 $0x0  }
0x70: {  	[sflag:s0] =	ssyncadd.s32 @!p0 s1  }
0x71: {  	[bflag:$0x3] =	sbarrier.arrive $0xFFFF  }
0x72: {  	_ =	shalt  }

</sc_bundles>
